<compile_context>
chip_gen: v7x
topology: tpu7x:2x2x1
jax: 0.10.2.dev20260603
libtpu: 0.0.44.dev20260713+nightly
codegen_flags: <defaults>
</compile_context>

<pallas_src>
import functools

import jax
import jax.numpy as jnp
from jax import lax
from jax.experimental import pallas as pl
from jax.experimental.pallas import tpu as pltpu
from jax.experimental.pallas import tpu_sc as plsc

_N = 16777216
_R = 1000
_TPAD = 1024
_TLEN = 2 * _TPAD + 32
_NC = 2
_NS = 16
_NW = _NC * _NS
_PW = _N // _NW
_C = 32768
_NCH = _PW // _C
_VPC = _C // 16


def _body(q_hbm, t_hbm, out_hbm, tab, qb0, qb1, qb2, in_sem, out_sem):
    wid = lax.axis_index("s") * _NC + lax.axis_index("c")
    base = wid * _PW

    bufs = (qb0, qb1, qb2)

    def in_copy(c, phase):
        return pltpu.make_async_copy(
            q_hbm.at[pl.ds(base + c * _C, _C)], bufs[phase],
            in_sem.at[phase])

    def out_copy(c, phase):
        return pltpu.make_async_copy(
            bufs[phase], out_hbm.at[pl.ds(base + c * _C, _C)],
            out_sem.at[phase])

    in_copy(0, 0).start()
    pltpu.sync_copy(t_hbm, tab)

    m0 = tab[pl.ds(2 * _TPAD, 16)]
    invh = tab[pl.ds(2 * _TPAD + 16, 16)]
    off_b = jnp.full((16,), _TPAD, jnp.int32)

    def group_body(g, _):
        for phase in range(3):
            c = g * 3 + phase
            nphase = (phase + 1) % 3
            buf = bufs[phase]

            @pl.when(c < _NCH)
            def _(c=c, phase=phase, nphase=nphase, buf=buf):
                @pl.when(c >= 2)
                def _():
                    out_copy(c - 2, nphase).wait()

                @pl.when(c + 1 < _NCH)
                def _():
                    in_copy(c + 1, nphase).start()

                in_copy(c, phase).wait()

                @plsc.parallel_loop(0, _VPC, 1, unroll=8)
                def vec_body(i):
                    x = buf[pl.ds(i * 16, 16)]
                    t = (x - m0) * invh
                    i0 = t.astype(jnp.int32)
                    s = plsc.load_gather(tab, [i0])
                    b = plsc.load_gather(tab, [i0 + off_b])
                    buf[pl.ds(i * 16, 16)] = b + s * x

                out_copy(c, phase).start()

        return 0

    lax.fori_loop(0, (_NCH + 2) // 3, group_body, 0)
    out_copy(_NCH - 2, (_NCH - 2) % 3).wait()
    out_copy(_NCH - 1, (_NCH - 1) % 3).wait()


@functools.partial(jax.jit, static_argnames=())
def _run(m_query, table):
    mesh = plsc.VectorSubcoreMesh(core_axis_name="c", subcore_axis_name="s")
    f = functools.partial(
        pl.kernel,
        mesh=mesh,
        compiler_params=pltpu.CompilerParams(needs_layout_passes=False),
        out_type=jax.ShapeDtypeStruct((_N,), jnp.float32),
        scratch_types=[
            pltpu.VMEM((_TLEN,), jnp.float32),
            pltpu.VMEM((_C,), jnp.float32),
            pltpu.VMEM((_C,), jnp.float32),
            pltpu.VMEM((_C,), jnp.float32),
            pltpu.SemaphoreType.DMA((3,)),
            pltpu.SemaphoreType.DMA((3,)),
        ],
    )(_body)
    return f(m_query, table)


def kernel(m_query, m_vals, E_vals):
    x0, x1 = m_vals[:-1], m_vals[1:]
    y0, y1 = E_vals[:-1], E_vals[1:]
    s = (y1 - y0) / (x1 - x0)
    b = y0 - s * x0
    npad = _TPAD - (_R - 1)
    s_pad = jnp.concatenate([s, jnp.zeros(npad, jnp.float32)])
    b_pad = jnp.concatenate([b, jnp.full(npad, E_vals[_R - 1], jnp.float32)])
    m0 = m_vals[0]
    invh = (_R - 1.0) / (m_vals[_R - 1] - m0)
    table = jnp.concatenate([
        s_pad,
        b_pad,
        jnp.full(16, m0, jnp.float32),
        jnp.full(16, invh, jnp.float32),
    ])
    return _run(m_query, table)

# --- scband reference (transcript-rebuilt; emitter-appended) ---
"""Pipeline reference for scband-ellip-elookup-49898930045645 (READ-ONLY COPY).

The authoritative reference and input builder live on the scoring server;
editing this copy changes nothing except your own understanding.
"""

import jax, jax.numpy as jnp
import numpy as np


def _ellipe_np(m, iters=40):
    # Complete elliptic integral of the second kind E(m) via the AGM method
    # (replacement for scipy.special.ellipe, pure numpy).
    m = np.asarray(m, dtype=np.float64)
    a = np.ones_like(m)
    b = np.sqrt(1.0 - m)
    c = np.sqrt(m)
    csum = 0.5 * c * c  # 2^{n-1} c_n^2 term for n=0
    pw = 0.5
    for _ in range(1, iters):
        an = 0.5 * (a + b)
        bn = np.sqrt(a * b)
        c = 0.5 * (a - b)
        a, b = an, bn
        pw *= 2.0
        csum += pw * c * c
    K = np.pi / (2.0 * a)
    return K * (1.0 - csum)


def setup_inputs(seed: int = 0) -> dict:
    key = jax.random.key(seed)
    resolution = 1000
    eps = 1e-06
    m_vals_np = np.linspace(eps, 1.0 - eps, resolution)
    E_vals_np = _ellipe_np(m_vals_np)
    m_query = jax.random.uniform(key, (16777216,), dtype=jnp.float32)
    return {
        "m_query": m_query,
        "m_vals": jnp.asarray(m_vals_np, dtype=jnp.float32),
        "E_vals": jnp.asarray(E_vals_np, dtype=jnp.float32),
    }


def reference(m_query, m_vals, E_vals):
    # Faithful port of interp1d(m_query, m_vals, E_vals)
    xq = jnp.clip(m_query, m_vals[0], m_vals[-1])
    idxs = jnp.searchsorted(m_vals, xq, side="right")
    idxs = jnp.clip(idxs, 1, m_vals.shape[0] - 1)
    x0 = m_vals[idxs - 1]
    x1 = m_vals[idxs]
    y0 = E_vals[idxs - 1]
    y1 = E_vals[idxs]
    slope = (y1 - y0) / (x1 - x0)
    return y0 + slope * (xq - x0)

if __name__ == "__main__":
    import jax
    _d = setup_inputs()
    print(jax.jit(kernel)(*tuple(_d.values())))

</pallas_src>

<mosaic_0001>
#map = affine_map<(d0, d1) -> (0)>
module attributes {stable_mosaic.version = 14 : i64} {
  func.func @_body(%arg0: i32, %arg1: i32, %arg2: memref<16777216xf32, #tpu.memory_space<hbm>>, %arg3: memref<2080xf32, #tpu.memory_space<hbm>>, %arg4: memref<16777216xf32, #tpu.memory_space<hbm>>, %arg5: memref<2080xf32, #tpu.memory_space<vmem>>, %arg6: memref<32768xf32, #tpu.memory_space<vmem>>, %arg7: memref<32768xf32, #tpu.memory_space<vmem>>, %arg8: memref<32768xf32, #tpu.memory_space<vmem>>, %arg9: memref<3x!tpu.dma_semaphore, #tpu.memory_space<semaphore_mem>>, %arg10: memref<3x!tpu.dma_semaphore, #tpu.memory_space<semaphore_mem>>) attributes {dimension_semantics = [#tpu.dimension_semantics<core_parallel>, #tpu.dimension_semantics<subcore_parallel>], iteration_bounds = array<i64: 2, 16>, scalar_prefetch = 0 : i64, scratch_operands = 6 : i64, tpu.core_type = #tpu.core_type<sc_vector_subcore>, window_params = [{transform_indices = #map}, {transform_indices = #map}, {transform_indices = #map}]} {
    %mul3A = arith.constant 2 : i32
    %mul3A_0 = arith.muli %arg1, %mul3A : i32
    %add3A = arith.addi %mul3A_0, %arg0 : i32
    %mul3A_1 = arith.constant 524288 : i32
    %mul3A_2 = arith.muli %add3A, %mul3A_1 : i32
    %add3A_3 = arith.constant 0 : i32
    %add3A_4 = arith.addi %mul3A_2, %add3A_3 : i32
    %dma_start3A = arith.constant 0 : i32
    %dma_start3A_5 = tpu.memref_slice %arg2[%add3A_4] : memref<16777216xf32, #tpu.memory_space<hbm>> -> memref<32768xf32, #tpu.memory_space<hbm>>
    %dma_start3A_6 = tpu.memref_slice %arg9[%dma_start3A] : memref<3x!tpu.dma_semaphore, #tpu.memory_space<semaphore_mem>> -> memref<1x!tpu.dma_semaphore, #tpu.memory_space<semaphore_mem>>
    %dma_start3A_7 = tpu.memref_squeeze %dma_start3A_6 : memref<1x!tpu.dma_semaphore, #tpu.memory_space<semaphore_mem>> -> memref<!tpu.dma_semaphore, #tpu.memory_space<semaphore_mem>>
    %dma_start3A_8 = tpu.memref_slice %arg2[%add3A_4] : memref<16777216xf32, #tpu.memory_space<hbm>> -> memref<32768xf32, #tpu.memory_space<hbm>>
    tpu.enqueue_dma source(%dma_start3A_8 : memref<32768xf32, #tpu.memory_space<hbm>>) target(%arg6 : memref<32768xf32, #tpu.memory_space<vmem>>) target_semaphore(%dma_start3A_7 : memref<!tpu.dma_semaphore, #tpu.memory_space<semaphore_mem>>)
    "tpu.region"() ({
      %run_scoped3A = tpu.sem_alloc : memref<!tpu.dma_semaphore, #tpu.memory_space<semaphore_mem>>
      tpu.enqueue_dma source(%arg3 : memref<2080xf32, #tpu.memory_space<hbm>>) target(%arg5 : memref<2080xf32, #tpu.memory_space<vmem>>) target_semaphore(%run_scoped3A : memref<!tpu.dma_semaphore, #tpu.memory_space<semaphore_mem>>)
      tpu.wait_dma2 semaphore(%run_scoped3A : memref<!tpu.dma_semaphore, #tpu.memory_space<semaphore_mem>>) src(%arg3 : memref<2080xf32, #tpu.memory_space<hbm>>) dst(%arg5 : memref<2080xf32, #tpu.memory_space<vmem>>)
      tpu.yield
    }) : () -> ()
    %get3A = arith.constant 2048 : index
    %get3A_9 = tpu.vector_load %arg5[%get3A] {strides = array<i32>} : memref<2080xf32, #tpu.memory_space<vmem>>, vector<16xf32>,
    %get3A_10 = arith.constant 2064 : index
    %get3A_11 = tpu.vector_load %arg5[%get3A_10] {strides = array<i32>} : memref<2080xf32, #tpu.memory_space<vmem>>, vector<16xf32>,
    %broadcast_in_dim3A = arith.constant 1024 : i32
    %broadcast_in_dim3A_12 = vector.broadcast %broadcast_in_dim3A : i32 to vector<16xi32>
    %scan3A = arith.constant 0 : i32
    %scan3A_13 = arith.constant 0 : i32
    %scan3A_14 = arith.constant 6 : i32
    %scan3A_15 = arith.addi %scan3A_13, %scan3A_14 : i32
    %scan3A_16 = arith.constant 1 : i32
    %scan3A_17 = scf.for %scan3A_32 = %scan3A_13 to %scan3A_15 step %scan3A_16 iter_args(%scan3A_33 = %scan3A) -> (i32)  : i32 {
      %mul3A_34 = arith.constant 3 : i32
      %mul3A_35 = arith.muli %scan3A_32, %mul3A_34 : i32
      %add3A_36 = arith.constant 0 : i32
      %add3A_37 = arith.addi %mul3A_35, %add3A_36 : i32
      %lt3A = arith.constant 16 : i32
      %lt3A_38 = arith.cmpi slt, %add3A_37, %lt3A : i32
      %convert_element_type3A = arith.extui %lt3A_38 : i1 to i32
      %cond3A = arith.constant 0 : i32
      %cond3A_39 = arith.cmpi ne, %convert_element_type3A, %cond3A : i32
      scf.if %cond3A_39 {
        %ge3A = arith.constant 2 : i32
        %ge3A_59 = arith.cmpi sge, %add3A_37, %ge3A : i32
        %convert_element_type3A_60 = arith.extui %ge3A_59 : i1 to i32
        %cond3A_61 = arith.constant 0 : i32
        %cond3A_62 = arith.cmpi ne, %convert_element_type3A_60, %cond3A_61 : i32
        scf.if %cond3A_62 {
          %sub3A = arith.constant 2 : i32
          %sub3A_88 = arith.subi %add3A_37, %sub3A : i32
          %mul3A_89 = arith.constant 32768 : i32
          %mul3A_90 = arith.muli %sub3A_88, %mul3A_89 : i32
          %add3A_91 = arith.addi %mul3A_2, %mul3A_90 : i32
          %dma_wait3A_92 = arith.constant 1 : i32
          %dma_wait3A_93 = tpu.memref_slice %arg4[%add3A_91] : memref<16777216xf32, #tpu.memory_space<hbm>> -> memref<32768xf32, #tpu.memory_space<hbm>>
          %dma_wait3A_94 = tpu.memref_slice %arg10[%dma_wait3A_92] : memref<3x!tpu.dma_semaphore, #tpu.memory_space<semaphore_mem>> -> memref<1x!tpu.dma_semaphore, #tpu.memory_space<semaphore_mem>>
          %dma_wait3A_95 = tpu.memref_squeeze %dma_wait3A_94 : memref<1x!tpu.dma_semaphore, #tpu.memory_space<semaphore_mem>> -> memref<!tpu.dma_semaphore, #tpu.memory_space<semaphore_mem>>
          %dma_wait3A_96 = tpu.memref_slice %arg4[%add3A_91] : memref<16777216xf32, #tpu.memory_space<hbm>> -> memref<32768xf32, #tpu.memory_space<hbm>>
          tpu.wait_dma2 semaphore(%dma_wait3A_95 : memref<!tpu.dma_semaphore, #tpu.memory_space<semaphore_mem>>) src(%arg7 : memref<32768xf32, #tpu.memory_space<vmem>>) dst(%dma_wait3A_96 : memref<32768xf32, #tpu.memory_space<hbm>>)
        } else {
        }
        %add3A_63 = arith.constant 1 : i32
        %add3A_64 = arith.addi %add3A_37, %add3A_63 : i32
        %lt3A_65 = arith.constant 16 : i32
        %lt3A_66 = arith.cmpi slt, %add3A_64, %lt3A_65 : i32
        %convert_element_type3A_67 = arith.extui %lt3A_66 : i1 to i32
        %cond3A_68 = arith.constant 0 : i32
        %cond3A_69 = arith.cmpi ne, %convert_element_type3A_67, %cond3A_68 : i32
        scf.if %cond3A_69 {
          %add3A_88 = arith.constant 1 : i32
          %add3A_89 = arith.addi %add3A_37, %add3A_88 : i32
          %mul3A_90 = arith.constant 32768 : i32
          %mul3A_91 = arith.muli %add3A_89, %mul3A_90 : i32
          %add3A_92 = arith.addi %mul3A_2, %mul3A_91 : i32
          %dma_start3A_93 = arith.constant 1 : i32
          %dma_start3A_94 = tpu.memref_slice %arg2[%add3A_92] : memref<16777216xf32, #tpu.memory_space<hbm>> -> memref<32768xf32, #tpu.memory_space<hbm>>
          %dma_start3A_95 = tpu.memref_slice %arg9[%dma_start3A_93] : memref<3x!tpu.dma_semaphore, #tpu.memory_space<semaphore_mem>> -> memref<1x!tpu.dma_semaphore, #tpu.memory_space<semaphore_mem>>
          %dma_start3A_96 = tpu.memref_squeeze %dma_start3A_95 : memref<1x!tpu.dma_semaphore, #tpu.memory_space<semaphore_mem>> -> memref<!tpu.dma_semaphore, #tpu.memory_space<semaphore_mem>>
          %dma_start3A_97 = tpu.memref_slice %arg2[%add3A_92] : memref<16777216xf32, #tpu.memory_space<hbm>> -> memref<32768xf32, #tpu.memory_space<hbm>>
          tpu.enqueue_dma source(%dma_start3A_97 : memref<32768xf32, #tpu.memory_space<hbm>>) target(%arg7 : memref<32768xf32, #tpu.memory_space<vmem>>) target_semaphore(%dma_start3A_96 : memref<!tpu.dma_semaphore, #tpu.memory_space<semaphore_mem>>)
        } else {
        }
        %mul3A_70 = arith.constant 32768 : i32
        %mul3A_71 = arith.muli %add3A_37, %mul3A_70 : i32
        %add3A_72 = arith.addi %mul3A_2, %mul3A_71 : i32
        %dma_wait3A_73 = arith.constant 0 : i32
        %dma_wait3A_74 = tpu.memref_slice %arg2[%add3A_72] : memref<16777216xf32, #tpu.memory_space<hbm>> -> memref<32768xf32, #tpu.memory_space<hbm>>
        %dma_wait3A_75 = tpu.memref_slice %arg9[%dma_wait3A_73] : memref<3x!tpu.dma_semaphore, #tpu.memory_space<semaphore_mem>> -> memref<1x!tpu.dma_semaphore, #tpu.memory_space<semaphore_mem>>
        %dma_wait3A_76 = tpu.memref_squeeze %dma_wait3A_75 : memref<1x!tpu.dma_semaphore, #tpu.memory_space<semaphore_mem>> -> memref<!tpu.dma_semaphore, #tpu.memory_space<semaphore_mem>>
        %dma_wait3A_77 = tpu.memref_slice %arg2[%add3A_72] : memref<16777216xf32, #tpu.memory_space<hbm>> -> memref<32768xf32, #tpu.memory_space<hbm>>
        tpu.wait_dma2 semaphore(%dma_wait3A_76 : memref<!tpu.dma_semaphore, #tpu.memory_space<semaphore_mem>>) src(%dma_wait3A_77 : memref<32768xf32, #tpu.memory_space<hbm>>) dst(%arg6 : memref<32768xf32, #tpu.memory_space<vmem>>)
        %parallel_loop3A = arith.constant 0 : i32
        %parallel_loop3A_78 = arith.constant 2048 : i32
        %parallel_loop3A_79 = arith.constant 1 : i32
        scf.for %parallel_loop3A_88 = %parallel_loop3A to %parallel_loop3A_78 step %parallel_loop3A_79  : i32 {
          %parallel_loop3A_89 = arith.constant 16 : i32
          %parallel_loop3A_90 = arith.muli %parallel_loop3A_88, %parallel_loop3A_89 : i32
          %parallel_loop3A_91 = arith.index_cast %parallel_loop3A_90 : i32 to index
          %parallel_loop3A_92 = tpu.vector_load %arg6[%parallel_loop3A_91] {strides = array<i32>} : memref<32768xf32, #tpu.memory_space<vmem>>, vector<16xf32>,
          %parallel_loop3A_93 = arith.subf %parallel_loop3A_92, %get3A_9 : vector<16xf32>
          %parallel_loop3A_94 = arith.mulf %parallel_loop3A_93, %get3A_11 : vector<16xf32>
          %parallel_loop3A_95 = arith.fptosi %parallel_loop3A_94 : vector<16xf32> to vector<16xi32>
          %parallel_loop3A_96 = tpu.vector_load_idx %arg5[%parallel_loop3A_95] : memref<2080xf32, #tpu.memory_space<vmem>>[vector<16xi32>], vector<16xf32>,
          %parallel_loop3A_97 = arith.addi %parallel_loop3A_95, %broadcast_in_dim3A_12 : vector<16xi32>
          %parallel_loop3A_98 = tpu.vector_load_idx %arg5[%parallel_loop3A_97] : memref<2080xf32, #tpu.memory_space<vmem>>[vector<16xi32>], vector<16xf32>,
          %parallel_loop3A_99 = arith.mulf %parallel_loop3A_96, %parallel_loop3A_92 : vector<16xf32>
          %parallel_loop3A_100 = arith.addf %parallel_loop3A_98, %parallel_loop3A_99 : vector<16xf32>
          %parallel_loop3A_101 = arith.constant 16 : i32
          %parallel_loop3A_102 = arith.muli %parallel_loop3A_88, %parallel_loop3A_101 : i32
          %parallel_loop3A_103 = arith.index_cast %parallel_loop3A_102 : i32 to index
          %parallel_loop3A_104 = tpu.vector_load %arg6[%parallel_loop3A_103] {strides = array<i32>} : memref<32768xf32, #tpu.memory_space<vmem>>, vector<16xf32>,
          tpu.vector_store %arg6[%parallel_loop3A_103], %parallel_loop3A_100 {strides = array<i32>} : memref<32768xf32, #tpu.memory_space<vmem>>, vector<16xf32>,
        } {sc.loop_unroll_factor = 8 : i64, sc.parallel_access}
        %mul3A_80 = arith.constant 32768 : i32
        %mul3A_81 = arith.muli %add3A_37, %mul3A_80 : i32
        %add3A_82 = arith.addi %mul3A_2, %mul3A_81 : i32
        %dma_start3A_83 = arith.constant 0 : i32
        %dma_start3A_84 = tpu.memref_slice %arg4[%add3A_82] : memref<16777216xf32, #tpu.memory_space<hbm>> -> memref<32768xf32, #tpu.memory_space<hbm>>
        %dma_start3A_85 = tpu.memref_slice %arg10[%dma_start3A_83] : memref<3x!tpu.dma_semaphore, #tpu.memory_space<semaphore_mem>> -> memref<1x!tpu.dma_semaphore, #tpu.memory_space<semaphore_mem>>
        %dma_start3A_86 = tpu.memref_squeeze %dma_start3A_85 : memref<1x!tpu.dma_semaphore, #tpu.memory_space<semaphore_mem>> -> memref<!tpu.dma_semaphore, #tpu.memory_space<semaphore_mem>>
        %dma_start3A_87 = tpu.memref_slice %arg4[%add3A_82] : memref<16777216xf32, #tpu.memory_space<hbm>> -> memref<32768xf32, #tpu.memory_space<hbm>>
        tpu.enqueue_dma source(%arg6 : memref<32768xf32, #tpu.memory_space<vmem>>) target(%dma_start3A_87 : memref<32768xf32, #tpu.memory_space<hbm>>) target_semaphore(%dma_start3A_86 : memref<!tpu.dma_semaphore, #tpu.memory_space<semaphore_mem>>)
      } else {
      }
      %mul3A_40 = arith.constant 3 : i32
      %mul3A_41 = arith.muli %scan3A_32, %mul3A_40 : i32
      %add3A_42 = arith.constant 1 : i32
      %add3A_43 = arith.addi %mul3A_41, %add3A_42 : i32
      %lt3A_44 = arith.constant 16 : i32
      %lt3A_45 = arith.cmpi slt, %add3A_43, %lt3A_44 : i32
      %convert_element_type3A_46 = arith.extui %lt3A_45 : i1 to i32
      %cond3A_47 = arith.constant 0 : i32
      %cond3A_48 = arith.cmpi ne, %convert_element_type3A_46, %cond3A_47 : i32
      scf.if %cond3A_48 {
        %ge3A = arith.constant 2 : i32
        %ge3A_59 = arith.cmpi sge, %add3A_43, %ge3A : i32
        %convert_element_type3A_60 = arith.extui %ge3A_59 : i1 to i32
        %cond3A_61 = arith.constant 0 : i32
        %cond3A_62 = arith.cmpi ne, %convert_element_type3A_60, %cond3A_61 : i32
        scf.if %cond3A_62 {
          %sub3A = arith.constant 2 : i32
          %sub3A_88 = arith.subi %add3A_43, %sub3A : i32
          %mul3A_89 = arith.constant 32768 : i32
          %mul3A_90 = arith.muli %sub3A_88, %mul3A_89 : i32
          %add3A_91 = arith.addi %mul3A_2, %mul3A_90 : i32
          %dma_wait3A_92 = arith.constant 2 : i32
          %dma_wait3A_93 = tpu.memref_slice %arg4[%add3A_91] : memref<16777216xf32, #tpu.memory_space<hbm>> -> memref<32768xf32, #tpu.memory_space<hbm>>
          %dma_wait3A_94 = tpu.memref_slice %arg10[%dma_wait3A_92] : memref<3x!tpu.dma_semaphore, #tpu.memory_space<semaphore_mem>> -> memref<1x!tpu.dma_semaphore, #tpu.memory_space<semaphore_mem>>
          %dma_wait3A_95 = tpu.memref_squeeze %dma_wait3A_94 : memref<1x!tpu.dma_semaphore, #tpu.memory_space<semaphore_mem>> -> memref<!tpu.dma_semaphore, #tpu.memory_space<semaphore_mem>>
          %dma_wait3A_96 = tpu.memref_slice %arg4[%add3A_91] : memref<16777216xf32, #tpu.memory_space<hbm>> -> memref<32768xf32, #tpu.memory_space<hbm>>
          tpu.wait_dma2 semaphore(%dma_wait3A_95 : memref<!tpu.dma_semaphore, #tpu.memory_space<semaphore_mem>>) src(%arg8 : memref<32768xf32, #tpu.memory_space<vmem>>) dst(%dma_wait3A_96 : memref<32768xf32, #tpu.memory_space<hbm>>)
        } else {
        }
        %add3A_63 = arith.constant 1 : i32
        %add3A_64 = arith.addi %add3A_43, %add3A_63 : i32
        %lt3A_65 = arith.constant 16 : i32
        %lt3A_66 = arith.cmpi slt, %add3A_64, %lt3A_65 : i32
        %convert_element_type3A_67 = arith.extui %lt3A_66 : i1 to i32
        %cond3A_68 = arith.constant 0 : i32
        %cond3A_69 = arith.cmpi ne, %convert_element_type3A_67, %cond3A_68 : i32
        scf.if %cond3A_69 {
          %add3A_88 = arith.constant 1 : i32
          %add3A_89 = arith.addi %add3A_43, %add3A_88 : i32
          %mul3A_90 = arith.constant 32768 : i32
          %mul3A_91 = arith.muli %add3A_89, %mul3A_90 : i32
          %add3A_92 = arith.addi %mul3A_2, %mul3A_91 : i32
          %dma_start3A_93 = arith.constant 2 : i32
          %dma_start3A_94 = tpu.memref_slice %arg2[%add3A_92] : memref<16777216xf32, #tpu.memory_space<hbm>> -> memref<32768xf32, #tpu.memory_space<hbm>>
          %dma_start3A_95 = tpu.memref_slice %arg9[%dma_start3A_93] : memref<3x!tpu.dma_semaphore, #tpu.memory_space<semaphore_mem>> -> memref<1x!tpu.dma_semaphore, #tpu.memory_space<semaphore_mem>>
          %dma_start3A_96 = tpu.memref_squeeze %dma_start3A_95 : memref<1x!tpu.dma_semaphore, #tpu.memory_space<semaphore_mem>> -> memref<!tpu.dma_semaphore, #tpu.memory_space<semaphore_mem>>
          %dma_start3A_97 = tpu.memref_slice %arg2[%add3A_92] : memref<16777216xf32, #tpu.memory_space<hbm>> -> memref<32768xf32, #tpu.memory_space<hbm>>
          tpu.enqueue_dma source(%dma_start3A_97 : memref<32768xf32, #tpu.memory_space<hbm>>) target(%arg8 : memref<32768xf32, #tpu.memory_space<vmem>>) target_semaphore(%dma_start3A_96 : memref<!tpu.dma_semaphore, #tpu.memory_space<semaphore_mem>>)
        } else {
        }
        %mul3A_70 = arith.constant 32768 : i32
        %mul3A_71 = arith.muli %add3A_43, %mul3A_70 : i32
        %add3A_72 = arith.addi %mul3A_2, %mul3A_71 : i32
        %dma_wait3A_73 = arith.constant 1 : i32
        %dma_wait3A_74 = tpu.memref_slice %arg2[%add3A_72] : memref<16777216xf32, #tpu.memory_space<hbm>> -> memref<32768xf32, #tpu.memory_space<hbm>>
        %dma_wait3A_75 = tpu.memref_slice %arg9[%dma_wait3A_73] : memref<3x!tpu.dma_semaphore, #tpu.memory_space<semaphore_mem>> -> memref<1x!tpu.dma_semaphore, #tpu.memory_space<semaphore_mem>>
        %dma_wait3A_76 = tpu.memref_squeeze %dma_wait3A_75 : memref<1x!tpu.dma_semaphore, #tpu.memory_space<semaphore_mem>> -> memref<!tpu.dma_semaphore, #tpu.memory_space<semaphore_mem>>
        %dma_wait3A_77 = tpu.memref_slice %arg2[%add3A_72] : memref<16777216xf32, #tpu.memory_space<hbm>> -> memref<32768xf32, #tpu.memory_space<hbm>>
        tpu.wait_dma2 semaphore(%dma_wait3A_76 : memref<!tpu.dma_semaphore, #tpu.memory_space<semaphore_mem>>) src(%dma_wait3A_77 : memref<32768xf32, #tpu.memory_space<hbm>>) dst(%arg7 : memref<32768xf32, #tpu.memory_space<vmem>>)
        %parallel_loop3A = arith.constant 0 : i32
        %parallel_loop3A_78 = arith.constant 2048 : i32
        %parallel_loop3A_79 = arith.constant 1 : i32
        scf.for %parallel_loop3A_88 = %parallel_loop3A to %parallel_loop3A_78 step %parallel_loop3A_79  : i32 {
          %parallel_loop3A_89 = arith.constant 16 : i32
          %parallel_loop3A_90 = arith.muli %parallel_loop3A_88, %parallel_loop3A_89 : i32
          %parallel_loop3A_91 = arith.index_cast %parallel_loop3A_90 : i32 to index
          %parallel_loop3A_92 = tpu.vector_load %arg7[%parallel_loop3A_91] {strides = array<i32>} : memref<32768xf32, #tpu.memory_space<vmem>>, vector<16xf32>,
          %parallel_loop3A_93 = arith.subf %parallel_loop3A_92, %get3A_9 : vector<16xf32>
          %parallel_loop3A_94 = arith.mulf %parallel_loop3A_93, %get3A_11 : vector<16xf32>
          %parallel_loop3A_95 = arith.fptosi %parallel_loop3A_94 : vector<16xf32> to vector<16xi32>
          %parallel_loop3A_96 = tpu.vector_load_idx %arg5[%parallel_loop3A_95] : memref<2080xf32, #tpu.memory_space<vmem>>[vector<16xi32>], vector<16xf32>,
          %parallel_loop3A_97 = arith.addi %parallel_loop3A_95, %broadcast_in_dim3A_12 : vector<16xi32>
          %parallel_loop3A_98 = tpu.vector_load_idx %arg5[%parallel_loop3A_97] : memref<2080xf32, #tpu.memory_space<vmem>>[vector<16xi32>], vector<16xf32>,
          %parallel_loop3A_99 = arith.mulf %parallel_loop3A_96, %parallel_loop3A_92 : vector<16xf32>
          %parallel_loop3A_100 = arith.addf %parallel_loop3A_98, %parallel_loop3A_99 : vector<16xf32>
          %parallel_loop3A_101 = arith.constant 16 : i32
          %parallel_loop3A_102 = arith.muli %parallel_loop3A_88, %parallel_loop3A_101 : i32
          %parallel_loop3A_103 = arith.index_cast %parallel_loop3A_102 : i32 to index
          %parallel_loop3A_104 = tpu.vector_load %arg7[%parallel_loop3A_103] {strides = array<i32>} : memref<32768xf32, #tpu.memory_space<vmem>>, vector<16xf32>,
          tpu.vector_store %arg7[%parallel_loop3A_103], %parallel_loop3A_100 {strides = array<i32>} : memref<32768xf32, #tpu.memory_space<vmem>>, vector<16xf32>,
        } {sc.loop_unroll_factor = 8 : i64, sc.parallel_access}
        %mul3A_80 = arith.constant 32768 : i32
        %mul3A_81 = arith.muli %add3A_43, %mul3A_80 : i32
        %add3A_82 = arith.addi %mul3A_2, %mul3A_81 : i32
        %dma_start3A_83 = arith.constant 1 : i32
        %dma_start3A_84 = tpu.memref_slice %arg4[%add3A_82] : memref<16777216xf32, #tpu.memory_space<hbm>> -> memref<32768xf32, #tpu.memory_space<hbm>>
        %dma_start3A_85 = tpu.memref_slice %arg10[%dma_start3A_83] : memref<3x!tpu.dma_semaphore, #tpu.memory_space<semaphore_mem>> -> memref<1x!tpu.dma_semaphore, #tpu.memory_space<semaphore_mem>>
        %dma_start3A_86 = tpu.memref_squeeze %dma_start3A_85 : memref<1x!tpu.dma_semaphore, #tpu.memory_space<semaphore_mem>> -> memref<!tpu.dma_semaphore, #tpu.memory_space<semaphore_mem>>
        %dma_start3A_87 = tpu.memref_slice %arg4[%add3A_82] : memref<16777216xf32, #tpu.memory_space<hbm>> -> memref<32768xf32, #tpu.memory_space<hbm>>
        tpu.enqueue_dma source(%arg7 : memref<32768xf32, #tpu.memory_space<vmem>>) target(%dma_start3A_87 : memref<32768xf32, #tpu.memory_space<hbm>>) target_semaphore(%dma_start3A_86 : memref<!tpu.dma_semaphore, #tpu.memory_space<semaphore_mem>>)
      } else {
      }
      %mul3A_49 = arith.constant 3 : i32
      %mul3A_50 = arith.muli %scan3A_32, %mul3A_49 : i32
      %add3A_51 = arith.constant 2 : i32
      %add3A_52 = arith.addi %mul3A_50, %add3A_51 : i32
      %lt3A_53 = arith.constant 16 : i32
      %lt3A_54 = arith.cmpi slt, %add3A_52, %lt3A_53 : i32
      %convert_element_type3A_55 = arith.extui %lt3A_54 : i1 to i32
      %cond3A_56 = arith.constant 0 : i32
      %cond3A_57 = arith.cmpi ne, %convert_element_type3A_55, %cond3A_56 : i32
      scf.if %cond3A_57 {
        %ge3A = arith.constant 2 : i32
        %ge3A_59 = arith.cmpi sge, %add3A_52, %ge3A : i32
        %convert_element_type3A_60 = arith.extui %ge3A_59 : i1 to i32
        %cond3A_61 = arith.constant 0 : i32
        %cond3A_62 = arith.cmpi ne, %convert_element_type3A_60, %cond3A_61 : i32
        scf.if %cond3A_62 {
          %sub3A = arith.constant 2 : i32
          %sub3A_88 = arith.subi %add3A_52, %sub3A : i32
          %mul3A_89 = arith.constant 32768 : i32
          %mul3A_90 = arith.muli %sub3A_88, %mul3A_89 : i32
          %add3A_91 = arith.addi %mul3A_2, %mul3A_90 : i32
          %dma_wait3A_92 = arith.constant 0 : i32
          %dma_wait3A_93 = tpu.memref_slice %arg4[%add3A_91] : memref<16777216xf32, #tpu.memory_space<hbm>> -> memref<32768xf32, #tpu.memory_space<hbm>>
          %dma_wait3A_94 = tpu.memref_slice %arg10[%dma_wait3A_92] : memref<3x!tpu.dma_semaphore, #tpu.memory_space<semaphore_mem>> -> memref<1x!tpu.dma_semaphore, #tpu.memory_space<semaphore_mem>>
          %dma_wait3A_95 = tpu.memref_squeeze %dma_wait3A_94 : memref<1x!tpu.dma_semaphore, #tpu.memory_space<semaphore_mem>> -> memref<!tpu.dma_semaphore, #tpu.memory_space<semaphore_mem>>
          %dma_wait3A_96 = tpu.memref_slice %arg4[%add3A_91] : memref<16777216xf32, #tpu.memory_space<hbm>> -> memref<32768xf32, #tpu.memory_space<hbm>>
          tpu.wait_dma2 semaphore(%dma_wait3A_95 : memref<!tpu.dma_semaphore, #tpu.memory_space<semaphore_mem>>) src(%arg6 : memref<32768xf32, #tpu.memory_space<vmem>>) dst(%dma_wait3A_96 : memref<32768xf32, #tpu.memory_space<hbm>>)
        } else {
        }
        %add3A_63 = arith.constant 1 : i32
        %add3A_64 = arith.addi %add3A_52, %add3A_63 : i32
        %lt3A_65 = arith.constant 16 : i32
        %lt3A_66 = arith.cmpi slt, %add3A_64, %lt3A_65 : i32
        %convert_element_type3A_67 = arith.extui %lt3A_66 : i1 to i32
        %cond3A_68 = arith.constant 0 : i32
        %cond3A_69 = arith.cmpi ne, %convert_element_type3A_67, %cond3A_68 : i32
        scf.if %cond3A_69 {
          %add3A_88 = arith.constant 1 : i32
          %add3A_89 = arith.addi %add3A_52, %add3A_88 : i32
          %mul3A_90 = arith.constant 32768 : i32
          %mul3A_91 = arith.muli %add3A_89, %mul3A_90 : i32
          %add3A_92 = arith.addi %mul3A_2, %mul3A_91 : i32
          %dma_start3A_93 = arith.constant 0 : i32
          %dma_start3A_94 = tpu.memref_slice %arg2[%add3A_92] : memref<16777216xf32, #tpu.memory_space<hbm>> -> memref<32768xf32, #tpu.memory_space<hbm>>
          %dma_start3A_95 = tpu.memref_slice %arg9[%dma_start3A_93] : memref<3x!tpu.dma_semaphore, #tpu.memory_space<semaphore_mem>> -> memref<1x!tpu.dma_semaphore, #tpu.memory_space<semaphore_mem>>
          %dma_start3A_96 = tpu.memref_squeeze %dma_start3A_95 : memref<1x!tpu.dma_semaphore, #tpu.memory_space<semaphore_mem>> -> memref<!tpu.dma_semaphore, #tpu.memory_space<semaphore_mem>>
          %dma_start3A_97 = tpu.memref_slice %arg2[%add3A_92] : memref<16777216xf32, #tpu.memory_space<hbm>> -> memref<32768xf32, #tpu.memory_space<hbm>>
          tpu.enqueue_dma source(%dma_start3A_97 : memref<32768xf32, #tpu.memory_space<hbm>>) target(%arg6 : memref<32768xf32, #tpu.memory_space<vmem>>) target_semaphore(%dma_start3A_96 : memref<!tpu.dma_semaphore, #tpu.memory_space<semaphore_mem>>)
        } else {
        }
        %mul3A_70 = arith.constant 32768 : i32
        %mul3A_71 = arith.muli %add3A_52, %mul3A_70 : i32
        %add3A_72 = arith.addi %mul3A_2, %mul3A_71 : i32
        %dma_wait3A_73 = arith.constant 2 : i32
        %dma_wait3A_74 = tpu.memref_slice %arg2[%add3A_72] : memref<16777216xf32, #tpu.memory_space<hbm>> -> memref<32768xf32, #tpu.memory_space<hbm>>
        %dma_wait3A_75 = tpu.memref_slice %arg9[%dma_wait3A_73] : memref<3x!tpu.dma_semaphore, #tpu.memory_space<semaphore_mem>> -> memref<1x!tpu.dma_semaphore, #tpu.memory_space<semaphore_mem>>
        %dma_wait3A_76 = tpu.memref_squeeze %dma_wait3A_75 : memref<1x!tpu.dma_semaphore, #tpu.memory_space<semaphore_mem>> -> memref<!tpu.dma_semaphore, #tpu.memory_space<semaphore_mem>>
        %dma_wait3A_77 = tpu.memref_slice %arg2[%add3A_72] : memref<16777216xf32, #tpu.memory_space<hbm>> -> memref<32768xf32, #tpu.memory_space<hbm>>
        tpu.wait_dma2 semaphore(%dma_wait3A_76 : memref<!tpu.dma_semaphore, #tpu.memory_space<semaphore_mem>>) src(%dma_wait3A_77 : memref<32768xf32, #tpu.memory_space<hbm>>) dst(%arg8 : memref<32768xf32, #tpu.memory_space<vmem>>)
        %parallel_loop3A = arith.constant 0 : i32
        %parallel_loop3A_78 = arith.constant 2048 : i32
        %parallel_loop3A_79 = arith.constant 1 : i32
        scf.for %parallel_loop3A_88 = %parallel_loop3A to %parallel_loop3A_78 step %parallel_loop3A_79  : i32 {
          %parallel_loop3A_89 = arith.constant 16 : i32
          %parallel_loop3A_90 = arith.muli %parallel_loop3A_88, %parallel_loop3A_89 : i32
          %parallel_loop3A_91 = arith.index_cast %parallel_loop3A_90 : i32 to index
          %parallel_loop3A_92 = tpu.vector_load %arg8[%parallel_loop3A_91] {strides = array<i32>} : memref<32768xf32, #tpu.memory_space<vmem>>, vector<16xf32>,
          %parallel_loop3A_93 = arith.subf %parallel_loop3A_92, %get3A_9 : vector<16xf32>
          %parallel_loop3A_94 = arith.mulf %parallel_loop3A_93, %get3A_11 : vector<16xf32>
          %parallel_loop3A_95 = arith.fptosi %parallel_loop3A_94 : vector<16xf32> to vector<16xi32>
          %parallel_loop3A_96 = tpu.vector_load_idx %arg5[%parallel_loop3A_95] : memref<2080xf32, #tpu.memory_space<vmem>>[vector<16xi32>], vector<16xf32>,
          %parallel_loop3A_97 = arith.addi %parallel_loop3A_95, %broadcast_in_dim3A_12 : vector<16xi32>
          %parallel_loop3A_98 = tpu.vector_load_idx %arg5[%parallel_loop3A_97] : memref<2080xf32, #tpu.memory_space<vmem>>[vector<16xi32>], vector<16xf32>,
          %parallel_loop3A_99 = arith.mulf %parallel_loop3A_96, %parallel_loop3A_92 : vector<16xf32>
          %parallel_loop3A_100 = arith.addf %parallel_loop3A_98, %parallel_loop3A_99 : vector<16xf32>
          %parallel_loop3A_101 = arith.constant 16 : i32
          %parallel_loop3A_102 = arith.muli %parallel_loop3A_88, %parallel_loop3A_101 : i32
          %parallel_loop3A_103 = arith.index_cast %parallel_loop3A_102 : i32 to index
          %parallel_loop3A_104 = tpu.vector_load %arg8[%parallel_loop3A_103] {strides = array<i32>} : memref<32768xf32, #tpu.memory_space<vmem>>, vector<16xf32>,
          tpu.vector_store %arg8[%parallel_loop3A_103], %parallel_loop3A_100 {strides = array<i32>} : memref<32768xf32, #tpu.memory_space<vmem>>, vector<16xf32>,
        } {sc.loop_unroll_factor = 8 : i64, sc.parallel_access}
        %mul3A_80 = arith.constant 32768 : i32
        %mul3A_81 = arith.muli %add3A_52, %mul3A_80 : i32
        %add3A_82 = arith.addi %mul3A_2, %mul3A_81 : i32
        %dma_start3A_83 = arith.constant 2 : i32
        %dma_start3A_84 = tpu.memref_slice %arg4[%add3A_82] : memref<16777216xf32, #tpu.memory_space<hbm>> -> memref<32768xf32, #tpu.memory_space<hbm>>
        %dma_start3A_85 = tpu.memref_slice %arg10[%dma_start3A_83] : memref<3x!tpu.dma_semaphore, #tpu.memory_space<semaphore_mem>> -> memref<1x!tpu.dma_semaphore, #tpu.memory_space<semaphore_mem>>
        %dma_start3A_86 = tpu.memref_squeeze %dma_start3A_85 : memref<1x!tpu.dma_semaphore, #tpu.memory_space<semaphore_mem>> -> memref<!tpu.dma_semaphore, #tpu.memory_space<semaphore_mem>>
        %dma_start3A_87 = tpu.memref_slice %arg4[%add3A_82] : memref<16777216xf32, #tpu.memory_space<hbm>> -> memref<32768xf32, #tpu.memory_space<hbm>>
        tpu.enqueue_dma source(%arg8 : memref<32768xf32, #tpu.memory_space<vmem>>) target(%dma_start3A_87 : memref<32768xf32, #tpu.memory_space<hbm>>) target_semaphore(%dma_start3A_86 : memref<!tpu.dma_semaphore, #tpu.memory_space<semaphore_mem>>)
      } else {
      }
      %scan3A_58 = arith.constant 0 : i32
      scf.yield %scan3A_58 : i32
    }
    %scan3A_18 = arith.constant 6 : i32
    %add3A_19 = arith.constant 458752 : i32
    %add3A_20 = arith.addi %mul3A_2, %add3A_19 : i32
    %dma_wait3A = arith.constant 2 : i32
    %dma_wait3A_21 = tpu.memref_slice %arg4[%add3A_20] : memref<16777216xf32, #tpu.memory_space<hbm>> -> memref<32768xf32, #tpu.memory_space<hbm>>
    %dma_wait3A_22 = tpu.memref_slice %arg10[%dma_wait3A] : memref<3x!tpu.dma_semaphore, #tpu.memory_space<semaphore_mem>> -> memref<1x!tpu.dma_semaphore, #tpu.memory_space<semaphore_mem>>
    %dma_wait3A_23 = tpu.memref_squeeze %dma_wait3A_22 : memref<1x!tpu.dma_semaphore, #tpu.memory_space<semaphore_mem>> -> memref<!tpu.dma_semaphore, #tpu.memory_space<semaphore_mem>>
    %dma_wait3A_24 = tpu.memref_slice %arg4[%add3A_20] : memref<16777216xf32, #tpu.memory_space<hbm>> -> memref<32768xf32, #tpu.memory_space<hbm>>
    tpu.wait_dma2 semaphore(%dma_wait3A_23 : memref<!tpu.dma_semaphore, #tpu.memory_space<semaphore_mem>>) src(%arg8 : memref<32768xf32, #tpu.memory_space<vmem>>) dst(%dma_wait3A_24 : memref<32768xf32, #tpu.memory_space<hbm>>)
    %add3A_25 = arith.constant 491520 : i32
    %add3A_26 = arith.addi %mul3A_2, %add3A_25 : i32
    %dma_wait3A_27 = arith.constant 0 : i32
    %dma_wait3A_28 = tpu.memref_slice %arg4[%add3A_26] : memref<16777216xf32, #tpu.memory_space<hbm>> -> memref<32768xf32, #tpu.memory_space<hbm>>
    %dma_wait3A_29 = tpu.memref_slice %arg10[%dma_wait3A_27] : memref<3x!tpu.dma_semaphore, #tpu.memory_space<semaphore_mem>> -> memref<1x!tpu.dma_semaphore, #tpu.memory_space<semaphore_mem>>
    %dma_wait3A_30 = tpu.memref_squeeze %dma_wait3A_29 : memref<1x!tpu.dma_semaphore, #tpu.memory_space<semaphore_mem>> -> memref<!tpu.dma_semaphore, #tpu.memory_space<semaphore_mem>>
    %dma_wait3A_31 = tpu.memref_slice %arg4[%add3A_26] : memref<16777216xf32, #tpu.memory_space<hbm>> -> memref<32768xf32, #tpu.memory_space<hbm>>
    tpu.wait_dma2 semaphore(%dma_wait3A_30 : memref<!tpu.dma_semaphore, #tpu.memory_space<semaphore_mem>>) src(%arg6 : memref<32768xf32, #tpu.memory_space<vmem>>) dst(%dma_wait3A_31 : memref<32768xf32, #tpu.memory_space<hbm>>)
    return
  }
}

</mosaic_0001>

<sc_bundles>
// kernel: _run.3.cloned.1.call-start
scs
__scs_entry_jumppad:
0x0: {  	(pc) =	sbr.rel $0x88, $3  }
0x1: {  	(tag) =	ssettag $0x0;
	lr =	simm.s32 $0x1  }
0x2: {  	[smem:$0x3F9F] =	sst lr;
	_ =	strace $0xD0000000  }
0x3: {  	_ = 	snop  }
0x4: {  	_ = 	snop  }
0x5: {  	_ = 	snop  }
0x6: {  	_ = 	snop  }
0x7: {  	_ = 	snop  }
__scs_overlays_trampoline_lowered:
0x8: {  	[smem:$0x3FAE] =	sst s0  }
0x9: {  	[smem:$0x3FAF] =	sst s1  }
0xa: {  	[smem:$0x3FB0] =	sst s2  }
0xb: {  	[smem:$0x3FB1] =	sst s3  }
0xc: {  	[smem:$0x3FB2] =	sst s4  }
0xd: {  	[smem:$0x3FB3] =	sst s5  }
0xe: {  	[smem:$0x3FB4] =	sst s6  }
0xf: {  	[smem:$0x3FB5] =	sst s7  }
0x10: {  	[smem:$0x3FB6] =	sst s8  }
0x11: {  	[smem:$0x3FB7] =	sst s9;
	s0 =	simm.s32 @!p0 $0x0  }
0x12: {  	s1 =	sld [smem:$0x3F9D];
	s0 =	simm.s32 @p0 $0x1  }
0x13: {  	[smem:$0x3FB8] =	sst s0;
	s0 =	simm.s32 @!p1 $0x0  }
0x14: {  	s2 =	sld [smem:$0x3F9C];
	s0 =	simm.s32 @p1 $0x1  }
0x15: {  	[smem:$0x3FB9] =	sst s0;
	s0 =	simm.s32 @!p2 $0x0  }
0x16: {  	s3 =	sld [smem:$0x3FDB];
	s0 =	simm.s32 @p2 $0x1  }
0x17: {  	s4 =	simm.s32 $0x1BF5;
	[smem:$0x3FBB] =	sst s0  }
0x18: {  	s0 =	sld [smem:$0x3F9E];
	_ =	swait.ge [sflag:s4], $0x0  }
0x19: {  	s7 =	sld [smem:$0x3F9F]  }
0x1a: {  	s8 =	sadd.s32 $0xFFFFE003, lr  }
0x1b: {  	s9 =	sadd.s32 $0xFFFFFEF7, lr;
	s5 =	simm.s32 $0xFFFFFFFF;
	p2 =	slt.u32 s8, $0xFFFFF086  }
0x1c: {  	p1 =	slt.u32 s9, $0xF7A;
	s5 =	simm.s32 @!p2 $0x0  }
0x1d: {  	s5 =	simm.s32 @p1 $0x1;
	p0 =	seq.s32 s7, s2  }
0x1e: {  	s7 =	smul.u32 @!p0 $0xF7A, s2;
	p2 =	seq.s32 @!p0 s5, $0x0  }
0x1f: {  	s9 =	smul.u32 $0xF7A, s1;
	s8 =	simm.s32 @!p0 $0x1BF5;
	p2 =	por !p2, p0  }
0x20: {  	[sflag:s8] =	ssyncset.s32 @!p0 $0xFFFFF086;
	s6 =	sadd.s32 @!p0 s3, s7;
	s7 =	simm.s32 @!p0 $0x108  }
0x21: {  	s3 =	sadd.s32 s3, s9;
	s6 =	sadd.s32 @!p0 $0x88, s6;
	s7 =	simm.s32 @p2 $0x1082  }
0x22: {  	[simem:s7], [sflag:s8] =	dma.local @!p0 [hbm:s6], $0xF7A  }
0x23: {  	s9 =	sor.u32 $0xD0000000, s2;
	s6 =	simm.s32 $0x108;
	_ =	swait.ge @!p0 [sflag:s8], $0x0  }
0x24: {  	s3 =	sadd.s32 $0x88, s3;
	s6 =	simm.s32 @!p1 $0x1082;
	[sflag:s4] =	ssyncset.s32 $0xFFFFF086  }
0x25: {  	[simem:s6], [sflag:s4] =	dma.local [hbm:s3], $0xF7A  }
0x26: {  	[smem:$0x3F9F] =	sst s1;
	(tag) =	ssettag s2;
	_ =	strace s9  }
0x27: {  	s1 =	sld [smem:$0x3FAF]  }
0x28: {  	s2 =	sld [smem:$0x3FB0]  }
0x29: {  	s4 =	sld [smem:$0x3FB2]  }
0x2a: {  	p0 =	seq.s32 s5, $0x0;
	s5 =	sld [smem:$0x3FB3]  }
0x2b: {  	s6 =	sld [smem:$0x3FB4]  }
0x2c: {  	s7 =	sld [smem:$0x3FB5]  }
0x2d: {  	s3 =	simm.s32 $0x108;
	s8 =	sld [smem:$0x3FB6]  }
0x2e: {  	s3 =	simm.s32 @!p0 $0x1082;
	s9 =	sld [smem:$0x3FB7]  }
0x2f: {  	lr =	sadd.s32 s0, s3;
	s0 =	sld [smem:$0x3FAE]  }
0x30: {  	s3 =	sld [smem:$0x3FB1]  }
0x31: {  	[smem:$0x3FBA] =	sst s10  }
0x32: {  	s10 =	sld [smem:$0x3FB8];
	_ =	sdelay $0x3  }
0x33: {  	p0 =	seq.s32 s10, $0x1;
	s10 =	sld [smem:$0x3FBA];
	_ =	sdelay $0x3  }
0x34: {  	[smem:$0x3FBA] =	sst s10  }
0x35: {  	s10 =	sld [smem:$0x3FB9];
	_ =	sdelay $0x3  }
0x36: {  	p1 =	seq.s32 s10, $0x1;
	s10 =	sld [smem:$0x3FBA];
	_ =	sdelay $0x3  }
0x37: {  	[smem:$0x3FBA] =	sst s10  }
0x38: {  	s10 =	sld [smem:$0x3FBB]  }
0x39: {  	_ = 	snop;
	(pc) =	sbr.ind lr, $3  }
0x3a: {  	_ = 	snop  }
0x3b: {  	_ = 	snop  }
0x3c: {  	p2 =	seq.s32 s10, $0x1;
	s10 =	sld [smem:$0x3FBA]  }
0x3d: {  	_ =	shalt  }
0x3e: {  	_ =	shalt  }
0x3f: {  	_ =	shalt  }
0x40: {  	_ =	shalt  }
0x41: {  	_ =	shalt  }
0x42: {  	_ =	shalt  }
0x43: {  	_ =	shalt  }
0x44: {  	_ =	shalt  }
0x45: {  	_ =	shalt  }
0x46: {  	_ =	shalt  }
0x47: {  	_ =	shalt  }
0x48: {  	_ =	shalt  }
0x49: {  	_ =	shalt  }
0x4a: {  	_ =	shalt  }
0x4b: {  	_ =	shalt  }
0x4c: {  	_ =	shalt  }
0x4d: {  	_ =	shalt  }
0x4e: {  	_ =	shalt  }
0x4f: {  	_ =	shalt  }
0x50: {  	_ =	shalt  }
0x51: {  	_ =	shalt  }
0x52: {  	_ =	shalt  }
0x53: {  	_ =	shalt  }
0x54: {  	_ =	shalt  }
0x55: {  	_ =	shalt  }
0x56: {  	_ =	shalt  }
0x57: {  	_ =	shalt  }
0x58: {  	_ =	shalt  }
0x59: {  	_ =	shalt  }
0x5a: {  	_ =	shalt  }
0x5b: {  	_ =	shalt  }
0x5c: {  	_ =	shalt  }
0x5d: {  	_ =	shalt  }
0x5e: {  	_ =	shalt  }
0x5f: {  	_ =	shalt  }
0x60: {  	_ =	shalt  }
0x61: {  	_ =	shalt  }
0x62: {  	_ =	shalt  }
0x63: {  	_ =	shalt  }
0x64: {  	_ =	shalt  }
0x65: {  	_ =	shalt  }
0x66: {  	_ =	shalt  }
0x67: {  	_ =	shalt  }
0x68: {  	_ =	shalt  }
0x69: {  	_ =	shalt  }
0x6a: {  	_ =	shalt  }
0x6b: {  	_ =	shalt  }
0x6c: {  	_ =	shalt  }
0x6d: {  	_ =	shalt  }
0x6e: {  	_ =	shalt  }
0x6f: {  	_ =	shalt  }
0x70: {  	_ =	shalt  }
0x71: {  	_ =	shalt  }
0x72: {  	_ =	shalt  }
0x73: {  	_ =	shalt  }
0x74: {  	_ =	shalt  }
0x75: {  	_ =	shalt  }
0x76: {  	_ =	shalt  }
0x77: {  	_ =	shalt  }
0x78: {  	_ =	shalt  }
0x79: {  	_ =	shalt  }
0x7a: {  	_ =	shalt  }
0x7b: {  	_ =	shalt  }
0x7c: {  	_ =	shalt  }
0x7d: {  	_ =	shalt  }
0x7e: {  	_ =	shalt  }
0x7f: {  	_ =	shalt  }
0x80: {  	_ =	shalt  }
0x81: {  	_ =	shalt  }
0x82: {  	_ =	shalt  }
0x83: {  	_ =	shalt  }
0x84: {  	_ =	shalt  }
0x85: {  	_ =	shalt  }
0x86: {  	_ =	shalt  }
0x87: {  	_ =	shalt  }
.Lfunc_end0:
.L_simem_size_0:
called_computation_lowered:
.L_overlay_start_0:
0x88: {  	s2 =	sld [smem:$0x3FD9]  }
0x89: {  	s3 =	sld [smem:$0x3FFE];
	_ =	sdelay $0x1  }
0x8a: {  	s1 =	srdreg.scid  }
0x8b: {  	s0 =	sand.u32 $0x1, s1  }
0x8c: {  	s18 =	sshll.u32 s0, $0xA;
	s2 =	sadd.s32 s3, s2  }
0x8d: {  	s2 =	sadd.s32 s2, s18  }
0x8e: {  	[smem:$0x3FC6] =	sst s2  }
0x8f: {  	_ = 	snop  }
0x90: {  	s2 =	sld [smem:$0x3FC9]  }
0x91: {  	s19 =	sld [smem:$0x3FC8]  }
0x92: {  	s4 =	sld [smem:$0x3FD0];
	(tm) =	ssettm $0x1  }
0x93: {  	s5 =	sld [smem:$0x3FFB];
	_ =	sdelay $0x3  }
0x94: {  	_ =	strace s5  }
0x95: {  	s5 =	sld [smem:$0x3FFC];
	_ =	sdelay $0x3  }
0x96: {  	_ =	strace s5  }
0x97: {  	s5 =	sld [smem:$0x3FFD];
	_ =	sdelay $0x3  }
0x98: {  	_ =	strace s5  }
0x99: {  	_ =	strace $0x8FFFFFFF  }
0x9a: {  	s20 =	sld [smem:$0x3FDB];
	_ =	sdelay $0x1  }
0x9b: {  	s6 =	simm.s32 $_scs_section_size  }
0x9c: {  	s7 =	simm.s32 $_size__tile_overlayer_lowered;
	s8 =	simm.s32 $_tile_overlayer_lowered  }
0x9d: {  	s23 =	simm.s32 $0x1BFF;
	s22 =	sshll.u32 s8, $0x1;
	s5 =	sadd.s32 s6, s20  }
0x9e: {  	s9 =	simm.s32 $0x0;
	s21 =	sshll.u32 s7, $0x1;
	s7 =	sadd.s32 s22, s5  }
0x9f: {  	[timem:s9], [sflag:s23] =	dma.local [hbm:s7], s21  }
0xa0: {  	_ =	swait.ge [sflag:s23], s21  }
0xa1: {  	s6 =	ssub.s32 $0x0, s21;
	[sflag:s23] =	ssyncset.done $0x0  }
0xa2: {  	[sflag:s23] =	ssyncadd.s32 s6;
	_ =	sdelay $0x1  }
0xa3: {  	s24 =	simm.s32 $0x1B8B  }
0xa4: {  	_ =	swait.ge [sflag:s24], $0x1  }
0xa5: {  	[sflag:s24] =	ssyncset.done $0x0  }
0xa6: {  	s25 =	simm.s32 $0x1B8E;
	[sflag:s24] =	ssyncadd.s32 $0xFFFFFFFF  }
0xa7: {  	s26 =	simm.s32 $execute0_lowered;
	[smem:$0x3FD2] =	sst s25  }
0xa8: {  	s6 =	sshll.u32 s26, $0x1;
	_ =	strace $0x80000046;
	[dreg:$0x1] =	wrdreg $0xFFFFFFFF  }
0xa9: {  	s28 =	simm.s32 $_size_execute0_lowered;
	s5 =	sadd.s32 s5, s6;
	[dreg:$0x0] =	wrdreg $0x0  }
0xaa: {  	s6 =	sshll.u32 s28, $0x1;
	[dreg:$0x2] =	wrdreg s5  }
0xab: {  	[dreg:$0x3] =	wrdreg s6  }
0xac: {  	[dreg:$0x4] =	wrdreg $0xC0  }
0xad: {  	_ =	task [dreg:s9], $0x5FFFF  }
0xae: {  	[dreg:$0x1] =	wrdreg $0xFFFFFFFF  }
0xaf: {  	[dreg:$0x0] =	wrdreg $0x60  }
0xb0: {  	[dreg:$0x2] =	wrdreg s2  }
0xb1: {  	[dreg:$0x3] =	wrdreg s19  }
0xb2: {  	[dreg:$0x4] =	wrdreg s4  }
0xb3: {  	[dreg:$0x5] =	wrdreg $0x9  }
0xb4: {  	_ =	task.clear_ibuf [dreg:s9], $0x6FFFF;
	_ =	strace $0x90000046  }
0xb5: {  	s29 =	simm.s32 $0x9;
	_ =	strace $0x80000048  }
0xb6: {  	_ =	swait.ge [sflag:s29], $0x1  }
0xb7: {  	[sflag:s29] =	ssyncadd.s32 $0xFFFFFFFF  }
0xb8: {  	_ =	strace $0x90000048  }
0xb9: {  	_ =	sfence  }
0xba: {  	s30 =	sld [smem:$0x0];
	_ =	sdelay $0x2  }
0xbb: {  	s31 =	sshll.u32 s1, $0xD;
	s1 =	sshrl.u32 s1, $0x2  }
0xbc: {  	s3 =	sand.u32 $0x4000, s31;
	s1 =	sadd.s32 s1, s30  }
0xbd: {  	s0 =	sor.u32 s3, s0;
	s1 =	sshll.u32 s1, $0x11  }
0xbe: {  	s0 =	sor.u32 s1, s0  }
0xbf: {  	s0 =	sadd.s32 $0x8F2B, s0  }
0xc0: {  	[sflag:s0] =	ssyncadd.remote.s32 $0x1  }
0xc1: {  	_ =	sfence.sel $0xFFFF  }
0xc2: {  	[dreg:$0x0] =	wrdreg $0xFFFFFFFF;
	(pc) =	sbr.abs _section_cstart, $3  }
0xc3: {  	[dreg:$0x1] =	wrdreg $0xFFFFFFFF  }
0xc4: {  	_ =	task.clear_ibuf [dreg:s9], $0x2FFFF;
	_ =	strace $0x9FFFFFFF  }
0xc5: {  	(tm) =	ssettm $0x7FFFFFFF  }
tec
execute0_lowered:
.L_overlay_start_1:
0x0: {  	(tag) =	ssettag $0x1  }
0x1: {  	s1 =	rddreg [dreg:$0x0]  }
0x2: {  	s2 =	rddreg [dreg:$0x1]  }
0x3: {  	s4 =	rddreg [dreg:$0x2]  }
0x4: {  	s0 =	rddreg [dreg:$0x3];
	s6 =	srdreg.scid;
	s5 =	simm.s32 $0x0  }
0x5: {  	s3 =	stileid.u32;
	s12 =	simm.s32 $0x880;
	s13 =	simm.s32 $0x7  }
0x6: {  	s14 =	simm.s32 $0x1;
	s15 =	simm.s32 $0x10880;
	s16 =	simm.s32 $0x2  }
0x7: {  	s17 =	simm.s32 $0x8880;
	s18 =	simm.s32 $0x4;
	s19 =	simm.s32 $0x3  }
0x8: {  	s20 =	simm.s32 $0x6;
	s21 =	simm.s32 $0x0;
	s6 =	sand.u32 $0x1, s6  }
.Ltmp0:
0x9: {  	s8 =	sshll.u32 s3, $0x14;
	s7 =	ssub.s32 $0x2, s6;
	(pc) =	sbr.rel .LBB2_1-.Ltmp0, $4  }
0xa: {  	[smem:$0x7FF] =	sst s5;
	s6 =	sshll.u32 s6, $0x13;
	s9 =	sshrl.u32 s7, $0x1  }
0xb: {  	_ =	strace $0x80000047;
	s6 =	sor.u32 s6, s8;
	s11 =	ssub.s32 s7, s9  }
0xc: {  	s31 =	sshrl.u32 s6, $0x3;
	s8 =	sor.u32 $0x8000, s6;
	s9 =	sor.u32 $0x10000, s6  }
0xd: {  	s10 =	sor.u32 $0x18000, s6;
	s7 =	sadd.s32 s1, s31;
	s11 =	smax.u32 s11, $0x1  }
.LBB2_12:
0xe: {  	s21 =	sadd.s32 $0x1, s21  }
0xf: {  	_ =	swait.ge [sflag:s20], $0x8000;
	p0 =	sne.s32 s21, s11  }
.Ltmp1:
0x10: {  	[sflag:s20] =	ssyncset.done $0x0;
	(pc) =	sbr.rel @!p0 .LBB2_13-.Ltmp1, $4  }
0x11: {  	[sflag:s20] =	ssyncadd.s32 $0xFFFF8000  }
0x12: {  	_ =	swait.ge [sflag:s18], $0x8000  }
0x13: {  	[sflag:s18] =	ssyncset.done $0x0  }
0x14: {  	[sflag:s18] =	ssyncadd.s32 $0xFFFF8000  }
.LBB2_1:
0x15: {  	[tilespmem:s12], [sflag:$0x1] =	stream.linear.gather [hbm4b:s7+s5], $0x8000, $0x38;
	[tilespmem:$0x18880] =	vst v63  }
0x16: {  	_ = 	snop  }
0x17: {  	[tilespmem:s5], [sflag:$0x7] =	stream.linear.gather [hbm4b:s2+s5], $0x880, $0x38;
	[tilespmem:$0x18880] =	vst v63  }
0x18: {  	_ =	swait.ge [sflag:s13], $0x880  }
0x19: {  	[sflag:s13] =	ssyncset.done $0x0  }
0x1a: {  	[sflag:s13] =	ssyncadd.s32 $0xFFFFF780  }
0x1b: {  	v0 =	vld [tilespmem:$0x800]  }
0x1c: {  	s22 =	simm.s32 $0x0;
	v1 =	vld [tilespmem:$0x810]  }
.LBB2_2:
0x1d: {  	p0 =	seq.s32 s22, $0x0  }
0x1e: {  	s23 =	simm.s32 @!p0 $0x5  }
0x1f: {  	p1 =	seq.s32 @!p0 s22, $0x5;
	_ =	swait.ge @!p0 [sflag:s23], $0x8000  }
0x20: {  	p1 =	por p0, !p1;
	[sflag:s23] =	ssyncset.done @!p0 $0x0  }
0x21: {  	[sflag:s23] =	ssyncadd.s32 @!p0 $0xFFFF8000;
	s23 =	smul.u32 @p1 $0x18000, s22;
	_ =	sdelay $0x1  }
0x22: {  	s23 =	sadd.s32 @p1 s23, s8  }
0x23: {  	s23 =	sshrl.u32 @p1 s23, $0x3  }
0x24: {  	s23 =	sadd.s32 @p1 s1, s23  }
0x25: {  	[tilespmem:s17], [sflag:$0x2] =	stream.linear.gather @p1 [hbm4b:s23+s5], $0x8000, $0x38;
	[tilespmem:$0x18880] =	vst v63  }
0x26: {  	_ =	swait.ge [sflag:s14], $0x8000  }
0x27: {  	[sflag:s14] =	ssyncset.done $0x0  }
0x28: {  	s23 =	simm.s32 $0x8C0;
	[sflag:s14] =	ssyncadd.s32 $0xFFFF8000  }
0x29: {  	v8 =	vld [tilespmem:s23+$0x30]  }
0x2a: {  	v9 =	vld [tilespmem:s23+$0xFFFFFFD0]  }
0x2b: {  	v10 =	vld [tilespmem:s23+$0xFFFFFFC0];
	_ =	sdelay $0x2  }
0x2c: {  	v2 =	vsub.f32 v8, v0  }
0x2d: {  	v3 =	vsub.f32 v9, v0  }
0x2e: {  	v4 =	vsub.f32 v10, v0;
	v2 =	vmul.f32 v2, v1  }
0x2f: {  	s25 =	simm.s32 $0x940;
	v3 =	vmul.f32 v3, v1  }
0x30: {  	v33 =	vld [tilespmem:s25+$0x30];
	v4 =	vmul.f32 v4, v1;
	v2 =	vtrunc.f32 v2  }
0x31: {  	v25 =	vld [tilespmem:s23+$0xFFFFFFE0];
	v3 =	vtrunc.f32 v3;
	v2 =	vcvt.f32.s32 v2  }
0x32: {  	v29 =	vld [tilespmem:s23+$0xFFFFFFF0];
	v4 =	vtrunc.f32 v4;
	v6 =	vcvt.f32.s32 v3  }
0x33: {  	v7 =	vcvt.f32.s32 v4;
	v3 =	vld [tilespmem:s23+$0x20]  }
0x34: {  	v32 =	vld [tilespmem:s23+$0x0]  }
0x35: {  	v38 =	vld [tilespmem:s23+$0x10];
	v23 =	vsub.f32 v33, v0;
	v5 =	vadd.s32 $0x400, v2;
	_ =	sdelay $0x1  }
0x36: {  	v23 =	vmul.f32 v23, v1;
	v4 =	vsub.f32 v25, v0;
	v12 =	vld.idx.msk [tilespmem:v2+s5+$0x0], $0xffff  }
0x37: {  	v11 =	vsub.f32 v29, v0;
	v15 =	vsub.f32 v3, v0;
	v14 =	vld.idx.msk [tilespmem:v6+s5+$0x0], $0xffff  }
0x38: {  	v23 =	vtrunc.f32 v23;
	v2 =	vmul.f32 v4, v1;
	v4 =	vsub.f32 v32, v0;
	v16 =	vld.idx.msk [tilespmem:v7+s5+$0x0], $0xffff  }
0x39: {  	v13 =	vld.idx.msk [tilespmem:v5+s5+$0x0], $0xffff;
	v5 =	vmul.f32 v11, v1;
	v11 =	vsub.f32 v38, v0;
	v15 =	vmul.f32 v15, v1  }
0x3a: {  	v21 =	vadd.s32 $0x400, v7;
	v7 =	vld [tilespmem:s25+$0x0];
	v4 =	vmul.f32 v4, v1;
	v2 =	vtrunc.f32 v2  }
0x3b: {  	v11 =	vmul.f32 v11, v1;
	v17 =	vtrunc.f32 v5;
	v5 =	vld [tilespmem:s25+$0xFFFFFFD0]  }
0x3c: {  	v19 =	vcvt.f32.s32 v2;
	v2 =	vld [tilespmem:s25+$0xFFFFFFE0];
	v15 =	vtrunc.f32 v15  }
0x3d: {  	v18 =	vtrunc.f32 v4;
	v17 =	vcvt.f32.s32 v17;
	v4 =	vld [tilespmem:s25+$0xFFFFFFF0]  }
0x3e: {  	v20 =	vadd.s32 $0x400, v6;
	v6 =	vld [tilespmem:s25+$0x10];
	v15 =	vcvt.f32.s32 v15;
	v11 =	vtrunc.f32 v11  }
0x3f: {  	v18 =	vcvt.f32.s32 v18;
	v12 =	vmul.f32 v12, v8;
	v8 =	vld [tilespmem:s25+$0x20]  }
0x40: {  	v22 =	vadd.s32 $0x400, v19;
	v34 =	vmul.f32 v14, v9;
	v9 =	vld [tilespmem:s25+$0xFFFFFFC0];
	v36 =	vmul.f32 v16, v10  }
0x41: {  	v11 =	vcvt.f32.s32 v11;
	v26 =	vsub.f32 v5, v0;
	v14 =	vsub.f32 v2, v0  }
0x42: {  	v24 =	vadd.s32 $0x400, v17;
	v16 =	vsub.f32 v4, v0;
	v28 =	vld.idx.msk [tilespmem:v19+s5+$0x0], $0xffff;
	v19 =	vsub.f32 v7, v0  }
0x43: {  	v10 =	vmul.f32 v26, v1;
	v14 =	vmul.f32 v14, v1;
	v37 =	vld.idx.msk [tilespmem:v17+s5+$0x0], $0xffff;
	v17 =	vsub.f32 v6, v0  }
0x44: {  	v41 =	vld.idx.msk [tilespmem:v21+s5+$0x0], $0xffff;
	v26 =	vcvt.f32.s32 v23;
	v23 =	vsub.f32 v8, v0;
	v16 =	vmul.f32 v16, v1  }
0x45: {  	v42 =	vld.idx.msk [tilespmem:v20+s5+$0x0], $0xffff;
	v27 =	vsub.f32 v9, v0;
	v19 =	vmul.f32 v19, v1;
	v10 =	vtrunc.f32 v10  }
0x46: {  	v39 =	vld.idx.msk [tilespmem:v18+s5+$0x0], $0xffff;
	v14 =	vtrunc.f32 v14;
	v30 =	vmul.f32 v17, v1  }
0x47: {  	v35 =	vadd.s32 $0x400, v18;
	v24 =	vld.idx.msk [tilespmem:v24+s5+$0x0], $0xffff;
	v23 =	vmul.f32 v23, v1;
	v18 =	vmul.f32 v27, v1  }
0x48: {  	v40 =	vld.idx.msk [tilespmem:v11+s5+$0x0], $0xffff;
	v31 =	vadd.s32 $0x400, v26;
	v16 =	vtrunc.f32 v16;
	v19 =	vtrunc.f32 v19  }
0x49: {  	v17 =	vld.idx.msk [tilespmem:v15+s5+$0x0], $0xffff;
	v11 =	vadd.s32 $0x400, v11;
	v44 =	vcvt.f32.s32 v10;
	v21 =	vcvt.f32.s32 v14  }
0x4a: {  	v43 =	vadd.s32 $0x400, v15;
	v27 =	vtrunc.f32 v23;
	v23 =	vld.idx.msk [tilespmem:v22+s5+$0x0], $0xffff;
	v15 =	vtrunc.f32 v18  }
0x4b: {  	v36 =	vadd.f32 v36, v41;
	v20 =	vtrunc.f32 v30;
	v46 =	vcvt.f32.s32 v15;
	v45 =	vld.idx.msk [tilespmem:v26+s5+$0x0], $0xffff  }
0x4c: {  	v10 =	vadd.f32 v12, v13;
	v22 =	vcvt.f32.s32 v16;
	v19 =	vcvt.f32.s32 v19;
	v26 =	vld.idx.msk [tilespmem:v35+s5+$0x0], $0xffff  }
0x4d: {  	v13 =	vadd.s32 $0x400, v44;
	v20 =	vcvt.f32.s32 v20;
	v18 =	vcvt.f32.s32 v27;
	v30 =	vld.idx.msk [tilespmem:v31+s5+$0x0], $0xffff  }
0x4e: {  	v15 =	vadd.s32 $0x400, v21;
	v14 =	vadd.s32 $0x400, v22;
	v12 =	vadd.s32 $0x400, v19;
	v27 =	vld.idx.msk [tilespmem:v11+s5+$0x0], $0xffff  }
0x4f: {  	v16 =	vadd.s32 $0x400, v46;
	v11 =	vadd.s32 $0x400, v20;
	v31 =	vmul.f32 v28, v25;
	v25 =	vld.idx.msk [tilespmem:v43+s5+$0x0], $0xffff  }
0x50: {  	[tilespmem:s23+$0x30] =	vst v10;
	v10 =	vadd.s32 $0x400, v18;
	v28 =	vld.idx.msk [tilespmem:v44+s5+$0x0], $0xffff;
	v35 =	vmul.f32 v45, v33;
	v33 =	vmul.f32 v37, v29  }
0x51: {  	s24 =	simm.s32 $0x8;
	s26 =	simm.s32 $0x9C0;
	v29 =	vld.idx.msk [tilespmem:v46+s5+$0x0], $0xffff;
	v37 =	vadd.f32 v34, v42;
	v34 =	vmul.f32 v39, v32;
	v32 =	vmul.f32 v40, v38  }
.LBB2_3:
0x52: {  	v38 =	vld [tilespmem:s26+$0x30];
	s24 =	sadd.s32 $0x8, s24;
	v30 =	vadd.f32 v35, v30;
	[tilespmem:s23+$0xFFFFFFC0] =	vst v36;
	v23 =	vadd.f32 v31, v23;
	v17 =	vmul.f32 v17, v3  }
0x53: {  	v24 =	vadd.f32 v33, v24;
	v33 =	vmovc v4;
	v31 =	vld [tilespmem:s26+$0xFFFFFFD0];
	p1 =	slt.u32 s24, $0x7F8;
	[tilespmem:s23+$0xFFFFFFD0] =	vst v37;
	v26 =	vadd.f32 v34, v26;
	v34 =	vmov v7  }
0x54: {  	v3 =	vmov v8;
	v27 =	vadd.f32 v32, v27;
	v32 =	vmov v6;
	v35 =	vld [tilespmem:s26+$0xFFFFFFE0];
	[tilespmem:s25+$0x30] =	vst v30  }
0x55: {  	v17 =	vadd.f32 v17, v25;
	v4 =	vld [tilespmem:s26+$0xFFFFFFF0];
	[tilespmem:s23+$0xFFFFFFE0] =	vst v23  }
0x56: {  	v37 =	vmul.f32 v28, v5;
	v7 =	vld [tilespmem:s26+$0x0];
	[tilespmem:s23+$0xFFFFFFF0] =	vst v24  }
0x57: {  	v29 =	vmul.f32 v29, v9;
	v6 =	vld [tilespmem:s26+$0x10];
	v23 =	vsub.f32 v38, v0;
	[tilespmem:s23+$0x0] =	vst v26  }
0x58: {  	v24 =	vsub.f32 v31, v0;
	v8 =	vld [tilespmem:s26+$0x20];
	[tilespmem:s23+$0x10] =	vst v27;
	v5 =	vmov v31  }
0x59: {  	v9 =	vld [tilespmem:s26+$0xFFFFFFC0];
	v25 =	vsub.f32 v35, v0;
	v23 =	vmul.f32 v23, v1;
	[tilespmem:s23+$0x20] =	vst v17;
	s23 =	smov.u32 s25;
	s25 =	smov.u32 s26  }
0x5a: {  	v17 =	vmul.f32 v24, v1;
	v24 =	vsub.f32 v4, v0;
	v28 =	vld.idx.msk [tilespmem:v21+s5+$0x0], $0xffff  }
0x5b: {  	v21 =	vmul.f32 v25, v1;
	v25 =	vsub.f32 v7, v0;
	v23 =	vtrunc.f32 v23;
	v39 =	vld.idx.msk [tilespmem:v22+s5+$0x0], $0xffff  }
0x5c: {  	v22 =	vmul.f32 v24, v1;
	v24 =	vsub.f32 v6, v0;
	v26 =	vcvt.f32.s32 v23;
	v40 =	vld.idx.msk [tilespmem:v19+s5+$0x0], $0xffff  }
0x5d: {  	v19 =	vtrunc.f32 v17;
	v23 =	vmul.f32 v25, v1;
	v25 =	vsub.f32 v8, v0;
	v41 =	vld.idx.msk [tilespmem:v20+s5+$0x0], $0xffff  }
0x5e: {  	v21 =	vtrunc.f32 v21;
	v20 =	vsub.f32 v9, v0;
	v24 =	vmul.f32 v24, v1;
	v17 =	vld.idx.msk [tilespmem:v18+s5+$0x0], $0xffff  }
0x5f: {  	v18 =	vtrunc.f32 v22;
	v22 =	vmul.f32 v25, v1;
	v25 =	vadd.s32 $0x400, v26;
	v36 =	vld.idx.msk [tilespmem:v16+s5+$0x0], $0xffff  }
0x60: {  	v16 =	vmul.f32 v20, v1;
	v20 =	vtrunc.f32 v23;
	v42 =	vld.idx.msk [tilespmem:v13+s5+$0x0], $0xffff  }
0x61: {  	v27 =	vtrunc.f32 v24;
	v31 =	vtrunc.f32 v22;
	v23 =	vld.idx.msk [tilespmem:v15+s5+$0x0], $0xffff  }
0x62: {  	v43 =	vcvt.f32.s32 v19;
	v13 =	vtrunc.f32 v16;
	v44 =	vld.idx.msk [tilespmem:v26+s5+$0x0], $0xffff  }
0x63: {  	v21 =	vcvt.f32.s32 v21;
	v45 =	vcvt.f32.s32 v13;
	v24 =	vld.idx.msk [tilespmem:v14+s5+$0x0], $0xffff  }
0x64: {  	v22 =	vcvt.f32.s32 v18;
	v19 =	vcvt.f32.s32 v20;
	v13 =	vadd.s32 $0x400, v43;
	v30 =	vld.idx.msk [tilespmem:v25+s5+$0x0], $0xffff  }
.Ltmp2:
0x65: {  	v20 =	vcvt.f32.s32 v27;
	v18 =	vcvt.f32.s32 v31;
	v16 =	vadd.s32 $0x400, v45;
	v26 =	vld.idx.msk [tilespmem:v12+s5+$0x0], $0xffff;
	(pc) =	sbr.rel @p1 .LBB2_3-.Ltmp2, $4  }
0x66: {  	v15 =	vadd.s32 $0x400, v21;
	v14 =	vadd.s32 $0x400, v22;
	v12 =	vadd.s32 $0x400, v19;
	v27 =	vld.idx.msk [tilespmem:v11+s5+$0x0], $0xffff  }
0x67: {  	v31 =	vmul.f32 v28, v2;
	v2 =	vmovc v35;
	v11 =	vadd.s32 $0x400, v20;
	v25 =	vld.idx.msk [tilespmem:v10+s5+$0x0], $0xffff;
	v10 =	vadd.s32 $0x400, v18  }
0x68: {  	v33 =	vmul.f32 v39, v33;
	v36 =	vadd.f32 v29, v36;
	v35 =	vmul.f32 v44, v38;
	v28 =	vld.idx.msk [tilespmem:v43+s5+$0x0], $0xffff  }
0x69: {  	s26 =	sadd.s32 $0x80, s26;
	v34 =	vmul.f32 v40, v34;
	v32 =	vmul.f32 v41, v32;
	v37 =	vadd.f32 v37, v42;
	v29 =	vld.idx.msk [tilespmem:v45+s5+$0x0], $0xffff  }
0x6a: {  	_ =	sdelay $0x3  }
0x6b: {  	v21 =	vld.idx.msk [tilespmem:v21+s5+$0x0], $0xffff  }
0x6c: {  	v22 =	vld.idx.msk [tilespmem:v22+s5+$0x0], $0xffff  }
0x6d: {  	v19 =	vld.idx.msk [tilespmem:v19+s5+$0x0], $0xffff  }
0x6e: {  	v20 =	vld.idx.msk [tilespmem:v20+s5+$0x0], $0xffff  }
0x6f: {  	v30 =	vadd.f32 v35, v30;
	[tilespmem:s23+$0xFFFFFFC0] =	vst v36;
	v18 =	vld.idx.msk [tilespmem:v18+s5+$0x0], $0xffff  }
0x70: {  	v23 =	vadd.f32 v31, v23;
	v13 =	vld.idx.msk [tilespmem:v13+s5+$0x0], $0xffff;
	[tilespmem:s23+$0xFFFFFFD0] =	vst v37  }
0x71: {  	v16 =	vld.idx.msk [tilespmem:v16+s5+$0x0], $0xffff;
	v24 =	vadd.f32 v33, v24;
	[tilespmem:s25+$0x30] =	vst v30  }
0x72: {  	v3 =	vmul.f32 v17, v3;
	v15 =	vld.idx.msk [tilespmem:v15+s5+$0x0], $0xffff;
	v61 =	vadd.f32 v34, v26;
	[tilespmem:s23+$0xFFFFFFE0] =	vst v23  }
0x73: {  	v14 =	vld.idx.msk [tilespmem:v14+s5+$0x0], $0xffff;
	v62 =	vadd.f32 v32, v27;
	[tilespmem:s23+$0xFFFFFFF0] =	vst v24;
	v5 =	vmul.f32 v28, v5  }
0x74: {  	v12 =	vld.idx.msk [tilespmem:v12+s5+$0x0], $0xffff;
	v3 =	vadd.f32 v3, v25;
	[tilespmem:s23+$0x0] =	vst v61;
	v9 =	vmul.f32 v29, v9  }
0x75: {  	v11 =	vld.idx.msk [tilespmem:v11+s5+$0x0], $0xffff;
	[tilespmem:s23+$0x10] =	vst v62;
	v2 =	vmul.f32 v21, v2;
	v5 =	vadd.f32 v5, v13  }
0x76: {  	[tilespmem:s23+$0x20] =	vst v3;
	v3 =	vld.idx.msk [tilespmem:v10+s5+$0x0], $0xffff;
	v4 =	vmul.f32 v22, v4;
	v9 =	vadd.f32 v9, v16  }
0x77: {  	v7 =	vmul.f32 v19, v7;
	v2 =	vadd.f32 v2, v15;
	[tilespmem:s25+$0xFFFFFFD0] =	vst v5  }
0x78: {  	v6 =	vmul.f32 v20, v6;
	v4 =	vadd.f32 v4, v14;
	[tilespmem:s25+$0xFFFFFFC0] =	vst v9  }
0x79: {  	s24 =	smul.u32 $0x18000, s22;
	v63 =	vmul.f32 v18, v8;
	v7 =	vadd.f32 v7, v12;
	[tilespmem:s25+$0xFFFFFFE0] =	vst v2  }
.Ltmp3:
0x7a: {  	v2 =	vadd.f32 v6, v11;
	[tilespmem:s25+$0xFFFFFFF0] =	vst v4;
	(pc) =	sbr.rel @p0 .LBB2_7-.Ltmp3, $4  }
0x7b: {  	s31 =	sadd.s32 s6, s24;
	v3 =	vadd.f32 v63, v3;
	[tilespmem:s25+$0x0] =	vst v7  }
0x7c: {  	s23 =	sshrl.u32 s31, $0x3;
	[tilespmem:s25+$0x10] =	vst v2  }
0x7d: {  	s23 =	sadd.s32 s4, s23;
	[tilespmem:s25+$0x20] =	vst v3  }
0x7e: {  	[hbm4b:s23+s5] =	stream.linear.scatter [tilespmem:s12], [sflag:$0x4], $0x8000, $0x38;
	[tilespmem:$0x18880] =	vst v63  }
0x7f: {  	p0 =	seq.s32 s22, $0x5  }
.Ltmp4:
0x80: {  	_ = 	snop;
	(pc) =	sbr.rel @p0 .LBB2_12-.Ltmp4, $1  }
0x81: {  	_ =	sdelay $0x3  }
0x82: {  	_ =	swait.ge [sflag:s20], $0x8000  }
0x83: {  	[sflag:s20] =	ssyncset.done $0x0  }
0x84: {  	[sflag:s20] =	ssyncadd.s32 $0xFFFF8000  }
.LBB2_7:
0x85: {  	s23 =	sadd.s32 s24, s9  }
0x86: {  	s23 =	sshrl.u32 s23, $0x3  }
0x87: {  	s25 =	sadd.s32 s1, s23  }
0x88: {  	[tilespmem:s15], [sflag:$0x3] =	stream.linear.gather [hbm4b:s25+s5], $0x8000, $0x38;
	[tilespmem:$0x18880] =	vst v63  }
0x89: {  	_ =	swait.ge [sflag:s16], $0x8000  }
0x8a: {  	[sflag:s16] =	ssyncset.done $0x0  }
0x8b: {  	s25 =	simm.s32 $0x88C0;
	[sflag:s16] =	ssyncadd.s32 $0xFFFF8000  }
0x8c: {  	v8 =	vld [tilespmem:s25+$0x30]  }
0x8d: {  	v9 =	vld [tilespmem:s25+$0xFFFFFFD0]  }
0x8e: {  	v10 =	vld [tilespmem:s25+$0xFFFFFFC0];
	_ =	sdelay $0x2  }
0x8f: {  	v2 =	vsub.f32 v8, v0  }
0x90: {  	v3 =	vsub.f32 v9, v0  }
0x91: {  	v4 =	vsub.f32 v10, v0;
	v2 =	vmul.f32 v2, v1  }
0x92: {  	s26 =	simm.s32 $0x8940;
	v3 =	vmul.f32 v3, v1  }
0x93: {  	v33 =	vld [tilespmem:s26+$0x30];
	v4 =	vmul.f32 v4, v1;
	v2 =	vtrunc.f32 v2  }
0x94: {  	v25 =	vld [tilespmem:s25+$0xFFFFFFE0];
	v3 =	vtrunc.f32 v3;
	v2 =	vcvt.f32.s32 v2  }
0x95: {  	v29 =	vld [tilespmem:s25+$0xFFFFFFF0];
	v4 =	vtrunc.f32 v4;
	v6 =	vcvt.f32.s32 v3  }
0x96: {  	v7 =	vcvt.f32.s32 v4;
	v3 =	vld [tilespmem:s25+$0x20]  }
0x97: {  	v32 =	vld [tilespmem:s25+$0x0]  }
0x98: {  	v38 =	vld [tilespmem:s25+$0x10];
	v23 =	vsub.f32 v33, v0;
	v5 =	vadd.s32 $0x400, v2;
	_ =	sdelay $0x1  }
0x99: {  	v23 =	vmul.f32 v23, v1;
	v4 =	vsub.f32 v25, v0;
	v12 =	vld.idx.msk [tilespmem:v2+s5+$0x0], $0xffff  }
0x9a: {  	v11 =	vsub.f32 v29, v0;
	v15 =	vsub.f32 v3, v0;
	v14 =	vld.idx.msk [tilespmem:v6+s5+$0x0], $0xffff  }
0x9b: {  	v23 =	vtrunc.f32 v23;
	v2 =	vmul.f32 v4, v1;
	v4 =	vsub.f32 v32, v0;
	v16 =	vld.idx.msk [tilespmem:v7+s5+$0x0], $0xffff  }
0x9c: {  	v13 =	vld.idx.msk [tilespmem:v5+s5+$0x0], $0xffff;
	v5 =	vmul.f32 v11, v1;
	v11 =	vsub.f32 v38, v0;
	v15 =	vmul.f32 v15, v1  }
0x9d: {  	v21 =	vadd.s32 $0x400, v7;
	v7 =	vld [tilespmem:s26+$0x0];
	v4 =	vmul.f32 v4, v1;
	v2 =	vtrunc.f32 v2  }
0x9e: {  	v11 =	vmul.f32 v11, v1;
	v17 =	vtrunc.f32 v5;
	v5 =	vld [tilespmem:s26+$0xFFFFFFD0]  }
0x9f: {  	v19 =	vcvt.f32.s32 v2;
	v2 =	vld [tilespmem:s26+$0xFFFFFFE0];
	v15 =	vtrunc.f32 v15  }
0xa0: {  	v18 =	vtrunc.f32 v4;
	v17 =	vcvt.f32.s32 v17;
	v4 =	vld [tilespmem:s26+$0xFFFFFFF0]  }
0xa1: {  	v20 =	vadd.s32 $0x400, v6;
	v6 =	vld [tilespmem:s26+$0x10];
	v15 =	vcvt.f32.s32 v15;
	v11 =	vtrunc.f32 v11  }
0xa2: {  	v18 =	vcvt.f32.s32 v18;
	v12 =	vmul.f32 v12, v8;
	v8 =	vld [tilespmem:s26+$0x20]  }
0xa3: {  	v22 =	vadd.s32 $0x400, v19;
	v34 =	vmul.f32 v14, v9;
	v9 =	vld [tilespmem:s26+$0xFFFFFFC0];
	v36 =	vmul.f32 v16, v10  }
0xa4: {  	v11 =	vcvt.f32.s32 v11;
	v26 =	vsub.f32 v5, v0;
	v14 =	vsub.f32 v2, v0  }
0xa5: {  	v24 =	vadd.s32 $0x400, v17;
	v16 =	vsub.f32 v4, v0;
	v28 =	vld.idx.msk [tilespmem:v19+s5+$0x0], $0xffff;
	v19 =	vsub.f32 v7, v0  }
0xa6: {  	v10 =	vmul.f32 v26, v1;
	v14 =	vmul.f32 v14, v1;
	v37 =	vld.idx.msk [tilespmem:v17+s5+$0x0], $0xffff;
	v17 =	vsub.f32 v6, v0  }
0xa7: {  	v41 =	vld.idx.msk [tilespmem:v21+s5+$0x0], $0xffff;
	v26 =	vcvt.f32.s32 v23;
	v23 =	vsub.f32 v8, v0;
	v16 =	vmul.f32 v16, v1  }
0xa8: {  	v42 =	vld.idx.msk [tilespmem:v20+s5+$0x0], $0xffff;
	v27 =	vsub.f32 v9, v0;
	v19 =	vmul.f32 v19, v1;
	v10 =	vtrunc.f32 v10  }
0xa9: {  	v39 =	vld.idx.msk [tilespmem:v18+s5+$0x0], $0xffff;
	v14 =	vtrunc.f32 v14;
	v30 =	vmul.f32 v17, v1  }
0xaa: {  	v35 =	vadd.s32 $0x400, v18;
	v24 =	vld.idx.msk [tilespmem:v24+s5+$0x0], $0xffff;
	v23 =	vmul.f32 v23, v1;
	v18 =	vmul.f32 v27, v1  }
0xab: {  	v40 =	vld.idx.msk [tilespmem:v11+s5+$0x0], $0xffff;
	v31 =	vadd.s32 $0x400, v26;
	v16 =	vtrunc.f32 v16;
	v19 =	vtrunc.f32 v19  }
0xac: {  	v17 =	vld.idx.msk [tilespmem:v15+s5+$0x0], $0xffff;
	v11 =	vadd.s32 $0x400, v11;
	v44 =	vcvt.f32.s32 v10;
	v21 =	vcvt.f32.s32 v14  }
0xad: {  	v43 =	vadd.s32 $0x400, v15;
	v27 =	vtrunc.f32 v23;
	v23 =	vld.idx.msk [tilespmem:v22+s5+$0x0], $0xffff;
	v15 =	vtrunc.f32 v18  }
0xae: {  	v36 =	vadd.f32 v36, v41;
	v20 =	vtrunc.f32 v30;
	v46 =	vcvt.f32.s32 v15;
	v45 =	vld.idx.msk [tilespmem:v26+s5+$0x0], $0xffff  }
0xaf: {  	v10 =	vadd.f32 v12, v13;
	v22 =	vcvt.f32.s32 v16;
	v19 =	vcvt.f32.s32 v19;
	v26 =	vld.idx.msk [tilespmem:v35+s5+$0x0], $0xffff  }
0xb0: {  	v13 =	vadd.s32 $0x400, v44;
	v20 =	vcvt.f32.s32 v20;
	v18 =	vcvt.f32.s32 v27;
	v30 =	vld.idx.msk [tilespmem:v31+s5+$0x0], $0xffff  }
0xb1: {  	v15 =	vadd.s32 $0x400, v21;
	v14 =	vadd.s32 $0x400, v22;
	v12 =	vadd.s32 $0x400, v19;
	v27 =	vld.idx.msk [tilespmem:v11+s5+$0x0], $0xffff  }
0xb2: {  	v16 =	vadd.s32 $0x400, v46;
	v11 =	vadd.s32 $0x400, v20;
	v31 =	vmul.f32 v28, v25;
	v25 =	vld.idx.msk [tilespmem:v43+s5+$0x0], $0xffff  }
0xb3: {  	[tilespmem:s25+$0x30] =	vst v10;
	v10 =	vadd.s32 $0x400, v18;
	v28 =	vld.idx.msk [tilespmem:v44+s5+$0x0], $0xffff;
	v35 =	vmul.f32 v45, v33;
	v33 =	vmul.f32 v37, v29  }
0xb4: {  	s28 =	simm.s32 $0x8;
	s29 =	simm.s32 $0x89C0;
	v29 =	vld.idx.msk [tilespmem:v46+s5+$0x0], $0xffff;
	v37 =	vadd.f32 v34, v42;
	v34 =	vmul.f32 v39, v32;
	v32 =	vmul.f32 v40, v38  }
.LBB2_8:
0xb5: {  	v38 =	vld [tilespmem:s29+$0x30];
	s28 =	sadd.s32 $0x8, s28;
	v30 =	vadd.f32 v35, v30;
	[tilespmem:s25+$0xFFFFFFC0] =	vst v36;
	v23 =	vadd.f32 v31, v23;
	v17 =	vmul.f32 v17, v3  }
0xb6: {  	v24 =	vadd.f32 v33, v24;
	v33 =	vmovc v4;
	v31 =	vld [tilespmem:s29+$0xFFFFFFD0];
	p0 =	slt.u32 s28, $0x7F8;
	[tilespmem:s25+$0xFFFFFFD0] =	vst v37;
	v26 =	vadd.f32 v34, v26;
	v34 =	vmov v7  }
0xb7: {  	v3 =	vmov v8;
	v27 =	vadd.f32 v32, v27;
	v32 =	vmov v6;
	v35 =	vld [tilespmem:s29+$0xFFFFFFE0];
	[tilespmem:s26+$0x30] =	vst v30  }
0xb8: {  	v17 =	vadd.f32 v17, v25;
	v4 =	vld [tilespmem:s29+$0xFFFFFFF0];
	[tilespmem:s25+$0xFFFFFFE0] =	vst v23  }
0xb9: {  	v37 =	vmul.f32 v28, v5;
	v7 =	vld [tilespmem:s29+$0x0];
	[tilespmem:s25+$0xFFFFFFF0] =	vst v24  }
0xba: {  	v29 =	vmul.f32 v29, v9;
	v6 =	vld [tilespmem:s29+$0x10];
	v23 =	vsub.f32 v38, v0;
	[tilespmem:s25+$0x0] =	vst v26  }
0xbb: {  	v24 =	vsub.f32 v31, v0;
	v8 =	vld [tilespmem:s29+$0x20];
	[tilespmem:s25+$0x10] =	vst v27;
	v5 =	vmov v31  }
0xbc: {  	v9 =	vld [tilespmem:s29+$0xFFFFFFC0];
	v25 =	vsub.f32 v35, v0;
	v23 =	vmul.f32 v23, v1;
	[tilespmem:s25+$0x20] =	vst v17;
	s25 =	smov.u32 s26;
	s26 =	smov.u32 s29  }
0xbd: {  	v17 =	vmul.f32 v24, v1;
	v24 =	vsub.f32 v4, v0;
	v28 =	vld.idx.msk [tilespmem:v21+s5+$0x0], $0xffff  }
0xbe: {  	v21 =	vmul.f32 v25, v1;
	v25 =	vsub.f32 v7, v0;
	v23 =	vtrunc.f32 v23;
	v39 =	vld.idx.msk [tilespmem:v22+s5+$0x0], $0xffff  }
0xbf: {  	v22 =	vmul.f32 v24, v1;
	v24 =	vsub.f32 v6, v0;
	v26 =	vcvt.f32.s32 v23;
	v40 =	vld.idx.msk [tilespmem:v19+s5+$0x0], $0xffff  }
0xc0: {  	v19 =	vtrunc.f32 v17;
	v23 =	vmul.f32 v25, v1;
	v25 =	vsub.f32 v8, v0;
	v41 =	vld.idx.msk [tilespmem:v20+s5+$0x0], $0xffff  }
0xc1: {  	v21 =	vtrunc.f32 v21;
	v20 =	vsub.f32 v9, v0;
	v24 =	vmul.f32 v24, v1;
	v17 =	vld.idx.msk [tilespmem:v18+s5+$0x0], $0xffff  }
0xc2: {  	v18 =	vtrunc.f32 v22;
	v22 =	vmul.f32 v25, v1;
	v25 =	vadd.s32 $0x400, v26;
	v36 =	vld.idx.msk [tilespmem:v16+s5+$0x0], $0xffff  }
0xc3: {  	v16 =	vmul.f32 v20, v1;
	v20 =	vtrunc.f32 v23;
	v42 =	vld.idx.msk [tilespmem:v13+s5+$0x0], $0xffff  }
0xc4: {  	v27 =	vtrunc.f32 v24;
	v31 =	vtrunc.f32 v22;
	v23 =	vld.idx.msk [tilespmem:v15+s5+$0x0], $0xffff  }
0xc5: {  	v43 =	vcvt.f32.s32 v19;
	v13 =	vtrunc.f32 v16;
	v44 =	vld.idx.msk [tilespmem:v26+s5+$0x0], $0xffff  }
0xc6: {  	v21 =	vcvt.f32.s32 v21;
	v45 =	vcvt.f32.s32 v13;
	v24 =	vld.idx.msk [tilespmem:v14+s5+$0x0], $0xffff  }
0xc7: {  	v22 =	vcvt.f32.s32 v18;
	v19 =	vcvt.f32.s32 v20;
	v13 =	vadd.s32 $0x400, v43;
	v30 =	vld.idx.msk [tilespmem:v25+s5+$0x0], $0xffff  }
.Ltmp5:
0xc8: {  	v20 =	vcvt.f32.s32 v27;
	v18 =	vcvt.f32.s32 v31;
	v16 =	vadd.s32 $0x400, v45;
	v26 =	vld.idx.msk [tilespmem:v12+s5+$0x0], $0xffff;
	(pc) =	sbr.rel @p0 .LBB2_8-.Ltmp5, $4  }
0xc9: {  	v15 =	vadd.s32 $0x400, v21;
	v14 =	vadd.s32 $0x400, v22;
	v12 =	vadd.s32 $0x400, v19;
	v27 =	vld.idx.msk [tilespmem:v11+s5+$0x0], $0xffff  }
0xca: {  	v31 =	vmul.f32 v28, v2;
	v2 =	vmovc v35;
	v11 =	vadd.s32 $0x400, v20;
	v25 =	vld.idx.msk [tilespmem:v10+s5+$0x0], $0xffff;
	v10 =	vadd.s32 $0x400, v18  }
0xcb: {  	v33 =	vmul.f32 v39, v33;
	v36 =	vadd.f32 v29, v36;
	v35 =	vmul.f32 v44, v38;
	v28 =	vld.idx.msk [tilespmem:v43+s5+$0x0], $0xffff  }
0xcc: {  	s29 =	sadd.s32 $0x80, s29;
	v34 =	vmul.f32 v40, v34;
	v32 =	vmul.f32 v41, v32;
	v37 =	vadd.f32 v37, v42;
	v29 =	vld.idx.msk [tilespmem:v45+s5+$0x0], $0xffff  }
0xcd: {  	_ =	sdelay $0x3  }
0xce: {  	v21 =	vld.idx.msk [tilespmem:v21+s5+$0x0], $0xffff  }
0xcf: {  	v22 =	vld.idx.msk [tilespmem:v22+s5+$0x0], $0xffff  }
0xd0: {  	v19 =	vld.idx.msk [tilespmem:v19+s5+$0x0], $0xffff  }
0xd1: {  	v20 =	vld.idx.msk [tilespmem:v20+s5+$0x0], $0xffff  }
0xd2: {  	v30 =	vadd.f32 v35, v30;
	[tilespmem:s25+$0xFFFFFFC0] =	vst v36;
	v18 =	vld.idx.msk [tilespmem:v18+s5+$0x0], $0xffff  }
0xd3: {  	v23 =	vadd.f32 v31, v23;
	v13 =	vld.idx.msk [tilespmem:v13+s5+$0x0], $0xffff;
	[tilespmem:s25+$0xFFFFFFD0] =	vst v37  }
0xd4: {  	v16 =	vld.idx.msk [tilespmem:v16+s5+$0x0], $0xffff;
	v24 =	vadd.f32 v33, v24;
	[tilespmem:s26+$0x30] =	vst v30  }
0xd5: {  	v3 =	vmul.f32 v17, v3;
	v15 =	vld.idx.msk [tilespmem:v15+s5+$0x0], $0xffff;
	v17 =	vadd.f32 v34, v26;
	[tilespmem:s25+$0xFFFFFFE0] =	vst v23  }
0xd6: {  	v14 =	vld.idx.msk [tilespmem:v14+s5+$0x0], $0xffff;
	v23 =	vadd.f32 v32, v27;
	[tilespmem:s25+$0xFFFFFFF0] =	vst v24;
	v5 =	vmul.f32 v28, v5  }
0xd7: {  	v12 =	vld.idx.msk [tilespmem:v12+s5+$0x0], $0xffff;
	v3 =	vadd.f32 v3, v25;
	[tilespmem:s25+$0x0] =	vst v17;
	v9 =	vmul.f32 v29, v9  }
0xd8: {  	v11 =	vld.idx.msk [tilespmem:v11+s5+$0x0], $0xffff;
	[tilespmem:s25+$0x10] =	vst v23;
	v2 =	vmul.f32 v21, v2;
	v5 =	vadd.f32 v5, v13  }
0xd9: {  	[tilespmem:s25+$0x20] =	vst v3;
	v3 =	vld.idx.msk [tilespmem:v10+s5+$0x0], $0xffff;
	v4 =	vmul.f32 v22, v4;
	v9 =	vadd.f32 v9, v16  }
0xda: {  	v7 =	vmul.f32 v19, v7;
	v2 =	vadd.f32 v2, v15;
	[tilespmem:s26+$0xFFFFFFD0] =	vst v5  }
0xdb: {  	v6 =	vmul.f32 v20, v6;
	v4 =	vadd.f32 v4, v14;
	[tilespmem:s26+$0xFFFFFFC0] =	vst v9  }
0xdc: {  	v5 =	vmul.f32 v18, v8;
	v7 =	vadd.f32 v7, v12;
	[tilespmem:s26+$0xFFFFFFE0] =	vst v2  }
0xdd: {  	v2 =	vadd.f32 v6, v11;
	[tilespmem:s26+$0xFFFFFFF0] =	vst v4  }
0xde: {  	s30 =	sadd.s32 s24, s8;
	v3 =	vadd.f32 v5, v3;
	[tilespmem:s26+$0x0] =	vst v7  }
0xdf: {  	s25 =	sshrl.u32 s30, $0x3;
	[tilespmem:s26+$0x10] =	vst v2  }
0xe0: {  	s25 =	sadd.s32 s4, s25;
	[tilespmem:s26+$0x20] =	vst v3  }
0xe1: {  	[hbm4b:s25+s5] =	stream.linear.scatter [tilespmem:s17], [sflag:$0x5], $0x8000, $0x38;
	[tilespmem:$0x18880] =	vst v63  }
0xe2: {  	s31 =	sadd.s32 s24, s10;
	_ =	swait.ge [sflag:s18], $0x8000  }
0xe3: {  	s24 =	sshrl.u32 s31, $0x3;
	[sflag:s18] =	ssyncset.done $0x0  }
0xe4: {  	s24 =	sadd.s32 s1, s24;
	[sflag:s18] =	ssyncadd.s32 $0xFFFF8000  }
0xe5: {  	[tilespmem:s12], [sflag:$0x1] =	stream.linear.gather [hbm4b:s24+s5], $0x8000, $0x38;
	[tilespmem:$0x18880] =	vst v63  }
0xe6: {  	_ =	swait.ge [sflag:s19], $0x8000  }
0xe7: {  	[sflag:s19] =	ssyncset.done $0x0  }
0xe8: {  	s24 =	simm.s32 $0x108C0;
	[sflag:s19] =	ssyncadd.s32 $0xFFFF8000  }
0xe9: {  	v8 =	vld [tilespmem:s24+$0x30]  }
0xea: {  	v9 =	vld [tilespmem:s24+$0xFFFFFFD0]  }
0xeb: {  	v10 =	vld [tilespmem:s24+$0xFFFFFFC0];
	_ =	sdelay $0x2  }
0xec: {  	v2 =	vsub.f32 v8, v0  }
0xed: {  	v3 =	vsub.f32 v9, v0  }
0xee: {  	v4 =	vsub.f32 v10, v0;
	v2 =	vmul.f32 v2, v1  }
0xef: {  	s25 =	simm.s32 $0x10940;
	v25 =	vld [tilespmem:s24+$0xFFFFFFE0];
	v3 =	vmul.f32 v3, v1  }
0xf0: {  	v59 =	vld [tilespmem:s25+$0x30];
	v4 =	vmul.f32 v4, v1;
	v2 =	vtrunc.f32 v2  }
0xf1: {  	v29 =	vld [tilespmem:s24+$0xFFFFFFF0];
	v3 =	vtrunc.f32 v3;
	v2 =	vcvt.f32.s32 v2  }
0xf2: {  	v58 =	vld [tilespmem:s24+$0x0];
	v6 =	vcvt.f32.s32 v3  }
0xf3: {  	v4 =	vtrunc.f32 v4;
	v3 =	vld [tilespmem:s24+$0x20]  }
0xf4: {  	v38 =	vld [tilespmem:s24+$0x10];
	v7 =	vcvt.f32.s32 v4;
	v5 =	vadd.s32 $0x400, v2  }
0xf5: {  	v23 =	vsub.f32 v59, v0  }
0xf6: {  	v4 =	vsub.f32 v25, v0  }
0xf7: {  	v11 =	vsub.f32 v29, v0;
	v23 =	vmul.f32 v23, v1;
	v12 =	vld.idx.msk [tilespmem:v2+s5+$0x0], $0xffff  }
0xf8: {  	v15 =	vsub.f32 v3, v0;
	v2 =	vmul.f32 v4, v1;
	v4 =	vsub.f32 v58, v0;
	v14 =	vld.idx.msk [tilespmem:v6+s5+$0x0], $0xffff  }
0xf9: {  	v23 =	vtrunc.f32 v23;
	v13 =	vld.idx.msk [tilespmem:v5+s5+$0x0], $0xffff;
	v5 =	vmul.f32 v11, v1;
	v11 =	vsub.f32 v38, v0  }
0xfa: {  	v16 =	vld.idx.msk [tilespmem:v7+s5+$0x0], $0xffff;
	v15 =	vmul.f32 v15, v1;
	v4 =	vmul.f32 v4, v1  }
0xfb: {  	v21 =	vadd.s32 $0x400, v7;
	v7 =	vld [tilespmem:s25+$0x0];
	v2 =	vtrunc.f32 v2;
	v11 =	vmul.f32 v11, v1  }
0xfc: {  	v17 =	vtrunc.f32 v5;
	v5 =	vld [tilespmem:s25+$0xFFFFFFD0];
	v19 =	vcvt.f32.s32 v2  }
0xfd: {  	v2 =	vld [tilespmem:s25+$0xFFFFFFE0];
	v15 =	vtrunc.f32 v15;
	v18 =	vtrunc.f32 v4  }
0xfe: {  	v17 =	vcvt.f32.s32 v17;
	v4 =	vld [tilespmem:s25+$0xFFFFFFF0];
	v15 =	vcvt.f32.s32 v15  }
0xff: {  	v20 =	vadd.s32 $0x400, v6;
	v6 =	vld [tilespmem:s25+$0x10];
	v11 =	vtrunc.f32 v11;
	v18 =	vcvt.f32.s32 v18  }
0x100: {  	v22 =	vadd.s32 $0x400, v19;
	v12 =	vmul.f32 v12, v8;
	v8 =	vld [tilespmem:s25+$0x20];
	v60 =	vmul.f32 v14, v9  }
0x101: {  	v9 =	vld [tilespmem:s25+$0xFFFFFFC0];
	v61 =	vmul.f32 v16, v10;
	v11 =	vcvt.f32.s32 v11;
	v26 =	vsub.f32 v5, v0  }
0x102: {  	v41 =	vld.idx.msk [tilespmem:v21+s5+$0x0], $0xffff;
	v24 =	vadd.s32 $0x400, v17;
	v43 =	vadd.s32 $0x400, v15;
	v14 =	vsub.f32 v2, v0  }
0x103: {  	v16 =	vsub.f32 v4, v0;
	v28 =	vld.idx.msk [tilespmem:v19+s5+$0x0], $0xffff;
	v19 =	vsub.f32 v7, v0;
	v10 =	vmul.f32 v26, v1  }
0x104: {  	v14 =	vmul.f32 v14, v1;
	v62 =	vld.idx.msk [tilespmem:v17+s5+$0x0], $0xffff;
	v17 =	vsub.f32 v6, v0;
	v26 =	vcvt.f32.s32 v23  }
0x105: {  	v42 =	vld.idx.msk [tilespmem:v20+s5+$0x0], $0xffff;
	v23 =	vsub.f32 v8, v0;
	v16 =	vmul.f32 v16, v1;
	v19 =	vmul.f32 v19, v1  }
0x106: {  	v27 =	vsub.f32 v9, v0;
	v39 =	vld.idx.msk [tilespmem:v18+s5+$0x0], $0xffff;
	v10 =	vtrunc.f32 v10;
	v14 =	vtrunc.f32 v14  }
0x107: {  	v63 =	vadd.s32 $0x400, v18;
	v24 =	vld.idx.msk [tilespmem:v24+s5+$0x0], $0xffff;
	v30 =	vmul.f32 v17, v1;
	v23 =	vmul.f32 v23, v1  }
0x108: {  	v40 =	vld.idx.msk [tilespmem:v11+s5+$0x0], $0xffff;
	v31 =	vadd.s32 $0x400, v26;
	v18 =	vmul.f32 v27, v1;
	v16 =	vtrunc.f32 v16  }
0x109: {  	v17 =	vld.idx.msk [tilespmem:v15+s5+$0x0], $0xffff;
	v11 =	vadd.s32 $0x400, v11;
	v19 =	vtrunc.f32 v19;
	v44 =	vcvt.f32.s32 v10  }
0x10a: {  	v36 =	vadd.f32 v61, v41;
	v27 =	vtrunc.f32 v23;
	v23 =	vld.idx.msk [tilespmem:v22+s5+$0x0], $0xffff;
	v15 =	vtrunc.f32 v18  }
0x10b: {  	v37 =	vadd.f32 v60, v42;
	v21 =	vcvt.f32.s32 v14;
	v46 =	vcvt.f32.s32 v15;
	v45 =	vld.idx.msk [tilespmem:v26+s5+$0x0], $0xffff  }
0x10c: {  	v10 =	vadd.f32 v12, v13;
	v20 =	vtrunc.f32 v30;
	v22 =	vcvt.f32.s32 v16;
	v26 =	vld.idx.msk [tilespmem:v63+s5+$0x0], $0xffff  }
0x10d: {  	v19 =	vcvt.f32.s32 v19;
	v13 =	vadd.s32 $0x400, v44;
	v20 =	vcvt.f32.s32 v20;
	v30 =	vld.idx.msk [tilespmem:v31+s5+$0x0], $0xffff  }
0x10e: {  	v18 =	vcvt.f32.s32 v27;
	v15 =	vadd.s32 $0x400, v21;
	v33 =	vmul.f32 v62, v29;
	v27 =	vld.idx.msk [tilespmem:v11+s5+$0x0], $0xffff  }
0x10f: {  	v14 =	vadd.s32 $0x400, v22;
	v12 =	vadd.s32 $0x400, v19;
	v31 =	vmul.f32 v28, v25;
	v25 =	vld.idx.msk [tilespmem:v43+s5+$0x0], $0xffff  }
0x110: {  	v34 =	vmul.f32 v39, v58;
	v16 =	vadd.s32 $0x400, v46;
	v28 =	vld.idx.msk [tilespmem:v44+s5+$0x0], $0xffff;
	v35 =	vmul.f32 v45, v59  }
0x111: {  	s28 =	simm.s32 $0x109C0;
	s26 =	simm.s32 $0x8;
	[tilespmem:s24+$0x30] =	vst v10;
	v11 =	vadd.s32 $0x400, v20;
	v10 =	vadd.s32 $0x400, v18;
	v32 =	vmul.f32 v40, v38;
	v29 =	vld.idx.msk [tilespmem:v46+s5+$0x0], $0xffff  }
.LBB2_10:
0x112: {  	v38 =	vld [tilespmem:s28+$0x30];
	s26 =	sadd.s32 $0x8, s26;
	v30 =	vadd.f32 v35, v30;
	[tilespmem:s24+$0xFFFFFFC0] =	vst v36;
	v23 =	vadd.f32 v31, v23;
	v17 =	vmul.f32 v17, v3  }
0x113: {  	v24 =	vadd.f32 v33, v24;
	v33 =	vmovc v4;
	v31 =	vld [tilespmem:s28+$0xFFFFFFD0];
	p0 =	slt.u32 s26, $0x7F8;
	[tilespmem:s24+$0xFFFFFFD0] =	vst v37;
	v26 =	vadd.f32 v34, v26;
	v34 =	vmov v7  }
0x114: {  	v3 =	vmov v8;
	v27 =	vadd.f32 v32, v27;
	v32 =	vmov v6;
	v35 =	vld [tilespmem:s28+$0xFFFFFFE0];
	[tilespmem:s25+$0x30] =	vst v30  }
0x115: {  	v17 =	vadd.f32 v17, v25;
	v4 =	vld [tilespmem:s28+$0xFFFFFFF0];
	[tilespmem:s24+$0xFFFFFFE0] =	vst v23  }
0x116: {  	v37 =	vmul.f32 v28, v5;
	v7 =	vld [tilespmem:s28+$0x0];
	[tilespmem:s24+$0xFFFFFFF0] =	vst v24  }
0x117: {  	v29 =	vmul.f32 v29, v9;
	v6 =	vld [tilespmem:s28+$0x10];
	v23 =	vsub.f32 v38, v0;
	[tilespmem:s24+$0x0] =	vst v26  }
0x118: {  	v24 =	vsub.f32 v31, v0;
	v8 =	vld [tilespmem:s28+$0x20];
	[tilespmem:s24+$0x10] =	vst v27;
	v5 =	vmov v31  }
0x119: {  	v9 =	vld [tilespmem:s28+$0xFFFFFFC0];
	v25 =	vsub.f32 v35, v0;
	v23 =	vmul.f32 v23, v1;
	[tilespmem:s24+$0x20] =	vst v17;
	s24 =	smov.u32 s25;
	s25 =	smov.u32 s28  }
0x11a: {  	v17 =	vmul.f32 v24, v1;
	v24 =	vsub.f32 v4, v0;
	v28 =	vld.idx.msk [tilespmem:v21+s5+$0x0], $0xffff  }
0x11b: {  	v21 =	vmul.f32 v25, v1;
	v25 =	vsub.f32 v7, v0;
	v23 =	vtrunc.f32 v23;
	v39 =	vld.idx.msk [tilespmem:v22+s5+$0x0], $0xffff  }
0x11c: {  	v22 =	vmul.f32 v24, v1;
	v24 =	vsub.f32 v6, v0;
	v26 =	vcvt.f32.s32 v23;
	v40 =	vld.idx.msk [tilespmem:v19+s5+$0x0], $0xffff  }
0x11d: {  	v19 =	vtrunc.f32 v17;
	v23 =	vmul.f32 v25, v1;
	v25 =	vsub.f32 v8, v0;
	v41 =	vld.idx.msk [tilespmem:v20+s5+$0x0], $0xffff  }
0x11e: {  	v21 =	vtrunc.f32 v21;
	v20 =	vsub.f32 v9, v0;
	v24 =	vmul.f32 v24, v1;
	v17 =	vld.idx.msk [tilespmem:v18+s5+$0x0], $0xffff  }
0x11f: {  	v18 =	vtrunc.f32 v22;
	v22 =	vmul.f32 v25, v1;
	v25 =	vadd.s32 $0x400, v26;
	v36 =	vld.idx.msk [tilespmem:v16+s5+$0x0], $0xffff  }
0x120: {  	v16 =	vmul.f32 v20, v1;
	v20 =	vtrunc.f32 v23;
	v42 =	vld.idx.msk [tilespmem:v13+s5+$0x0], $0xffff  }
0x121: {  	v27 =	vtrunc.f32 v24;
	v31 =	vtrunc.f32 v22;
	v23 =	vld.idx.msk [tilespmem:v15+s5+$0x0], $0xffff  }
0x122: {  	v43 =	vcvt.f32.s32 v19;
	v13 =	vtrunc.f32 v16;
	v44 =	vld.idx.msk [tilespmem:v26+s5+$0x0], $0xffff  }
0x123: {  	v21 =	vcvt.f32.s32 v21;
	v45 =	vcvt.f32.s32 v13;
	v24 =	vld.idx.msk [tilespmem:v14+s5+$0x0], $0xffff  }
0x124: {  	v22 =	vcvt.f32.s32 v18;
	v19 =	vcvt.f32.s32 v20;
	v13 =	vadd.s32 $0x400, v43;
	v30 =	vld.idx.msk [tilespmem:v25+s5+$0x0], $0xffff  }
.Ltmp6:
0x125: {  	v20 =	vcvt.f32.s32 v27;
	v18 =	vcvt.f32.s32 v31;
	v16 =	vadd.s32 $0x400, v45;
	v26 =	vld.idx.msk [tilespmem:v12+s5+$0x0], $0xffff;
	(pc) =	sbr.rel @p0 .LBB2_10-.Ltmp6, $4  }
0x126: {  	v15 =	vadd.s32 $0x400, v21;
	v14 =	vadd.s32 $0x400, v22;
	v12 =	vadd.s32 $0x400, v19;
	v27 =	vld.idx.msk [tilespmem:v11+s5+$0x0], $0xffff  }
0x127: {  	v31 =	vmul.f32 v28, v2;
	v2 =	vmovc v35;
	v11 =	vadd.s32 $0x400, v20;
	v25 =	vld.idx.msk [tilespmem:v10+s5+$0x0], $0xffff;
	v10 =	vadd.s32 $0x400, v18  }
0x128: {  	v33 =	vmul.f32 v39, v33;
	v36 =	vadd.f32 v29, v36;
	v35 =	vmul.f32 v44, v38;
	v28 =	vld.idx.msk [tilespmem:v43+s5+$0x0], $0xffff  }
0x129: {  	s28 =	sadd.s32 $0x80, s28;
	v34 =	vmul.f32 v40, v34;
	v32 =	vmul.f32 v41, v32;
	v37 =	vadd.f32 v37, v42;
	v29 =	vld.idx.msk [tilespmem:v45+s5+$0x0], $0xffff  }
0x12a: {  	_ =	sdelay $0x3  }
0x12b: {  	v21 =	vld.idx.msk [tilespmem:v21+s5+$0x0], $0xffff  }
0x12c: {  	v22 =	vld.idx.msk [tilespmem:v22+s5+$0x0], $0xffff  }
0x12d: {  	v19 =	vld.idx.msk [tilespmem:v19+s5+$0x0], $0xffff  }
0x12e: {  	v20 =	vld.idx.msk [tilespmem:v20+s5+$0x0], $0xffff  }
0x12f: {  	v30 =	vadd.f32 v35, v30;
	[tilespmem:s24+$0xFFFFFFC0] =	vst v36;
	v18 =	vld.idx.msk [tilespmem:v18+s5+$0x0], $0xffff  }
0x130: {  	v23 =	vadd.f32 v31, v23;
	v13 =	vld.idx.msk [tilespmem:v13+s5+$0x0], $0xffff;
	[tilespmem:s24+$0xFFFFFFD0] =	vst v37  }
0x131: {  	v16 =	vld.idx.msk [tilespmem:v16+s5+$0x0], $0xffff;
	v24 =	vadd.f32 v33, v24;
	[tilespmem:s25+$0x30] =	vst v30  }
0x132: {  	v3 =	vmul.f32 v17, v3;
	v15 =	vld.idx.msk [tilespmem:v15+s5+$0x0], $0xffff;
	v61 =	vadd.f32 v34, v26;
	[tilespmem:s24+$0xFFFFFFE0] =	vst v23  }
0x133: {  	v14 =	vld.idx.msk [tilespmem:v14+s5+$0x0], $0xffff;
	v62 =	vadd.f32 v32, v27;
	[tilespmem:s24+$0xFFFFFFF0] =	vst v24;
	v5 =	vmul.f32 v28, v5  }
0x134: {  	v12 =	vld.idx.msk [tilespmem:v12+s5+$0x0], $0xffff;
	v3 =	vadd.f32 v3, v25;
	[tilespmem:s24+$0x0] =	vst v61;
	v9 =	vmul.f32 v29, v9  }
0x135: {  	v11 =	vld.idx.msk [tilespmem:v11+s5+$0x0], $0xffff;
	[tilespmem:s24+$0x10] =	vst v62;
	v2 =	vmul.f32 v21, v2;
	v5 =	vadd.f32 v5, v13  }
0x136: {  	[tilespmem:s24+$0x20] =	vst v3;
	v3 =	vld.idx.msk [tilespmem:v10+s5+$0x0], $0xffff;
	v4 =	vmul.f32 v22, v4;
	v9 =	vadd.f32 v9, v16  }
0x137: {  	v7 =	vmul.f32 v19, v7;
	v2 =	vadd.f32 v2, v15;
	[tilespmem:s25+$0xFFFFFFD0] =	vst v5  }
0x138: {  	v6 =	vmul.f32 v20, v6;
	v4 =	vadd.f32 v4, v14;
	[tilespmem:s25+$0xFFFFFFC0] =	vst v9  }
0x139: {  	v63 =	vmul.f32 v18, v8;
	v7 =	vadd.f32 v7, v12;
	[tilespmem:s25+$0xFFFFFFE0] =	vst v2  }
.Ltmp7:
0x13a: {  	v2 =	vadd.f32 v6, v11;
	[tilespmem:s25+$0xFFFFFFF0] =	vst v4;
	(pc) =	sbr.rel .LBB2_2-.Ltmp7, $4  }
0x13b: {  	v3 =	vadd.f32 v63, v3;
	[tilespmem:s25+$0x0] =	vst v7  }
0x13c: {  	[tilespmem:s25+$0x10] =	vst v2  }
0x13d: {  	s23 =	sadd.s32 s4, s23;
	s22 =	sadd.s32 $0x1, s22;
	[tilespmem:s25+$0x20] =	vst v3  }
0x13e: {  	[hbm4b:s23+s5] =	stream.linear.scatter [tilespmem:s15], [sflag:$0x6], $0x8000, $0x38;
	[tilespmem:$0x18880] =	vst v63  }
.LBB2_13:
0x13f: {  	_ =	sfence.sel $0x180000  }
0x140: {  	[bflag:$0x0] =	sbarrier.arrive $0xFFFF  }
0x141: {  	p0 =	sne.s32 s3, $0x0;
	_ =	strace $0x90000047  }
0x142: {  	s0 =	sadd.s32 @!p0 $0x100000, s0;
	[bflag:$0x2] =	sbarrier.arrive $0xFFFF  }
0x143: {  	[sflag:s0] =	ssyncadd.tile.s32 @!p0 $0x1;
	_ =	shalt  }
.Lfunc_end2:
_tile_overlayer_lowered:
.L_overlay_start_2:
0x144: {  	(tag) =	ssettag $0x2  }
0x145: {  	s0 =	rddreg [dreg:$0x0];
	s2 =	stileid.u32  }
0x146: {  	s1 =	rddreg [dreg:$0x1];
	p0 =	sne.s32 s2, $0x0  }
0x147: {  	s3 =	rddreg [dreg:$0x2];
	[bflag:$0x3] =	sbarrier.arrive $0xFFFF;
	s2 =	simm.s32 @!p0 $0x1C07  }
0x148: {  	[timem:s3], [sflag:s2] =	dma.local @!p0 [hbm:s0], s1  }
0x149: {  	s0 =	simm.s32 @!p0 $0x7  }
0x14a: {  	_ =	swait.ge @!p0 [sflag:s0], s1  }
0x14b: {  	s1 =	ssub.s32 @!p0 $0x0, s1;
	[sflag:s0] =	ssyncset.done @!p0 $0x0  }
0x14c: {  	[sflag:s0] =	ssyncadd.s32 @!p0 s1  }
0x14d: {  	[bflag:$0x3] =	sbarrier.arrive $0xFFFF  }
0x14e: {  	_ =	shalt  }

</sc_bundles>
